<compile_context>
chip_gen: v7x
topology: tpu7x:2x2x1
jax: 0.10.2.dev20260603
libtpu: 0.0.44.dev20260713+nightly
codegen_flags: <defaults>
</compile_context>

<pallas_src>
import functools

import jax
import jax.numpy as jnp
from jax import lax
from jax.experimental import pallas as pl
from jax.experimental.pallas import tpu as pltpu
from jax.experimental.pallas import tpu_sc as plsc

NUM_ELEMENTS = 100
EMBED_DIM = 128

_B = 16384 * 200
_NC = 2
_NS = 16
_NW = _NC * _NS
_BPW = _B // _NW
_K = 8
_SUB = 128
_NBUF = 6
_LAG = 2
_NGROUP = _BPW // (_K * _SUB)
_IDX_ROWS_PER_W = _BPW // 128
_NSUBW = _BPW // _SUB


def _make_sc_kernel():
    mesh = plsc.VectorSubcoreMesh(core_axis_name="c", subcore_axis_name="s")

    @functools.partial(
        pl.kernel,
        mesh=mesh,
        out_type=jax.ShapeDtypeStruct((_B, EMBED_DIM), jnp.float32),
        scratch_types=(
            [pltpu.VMEM((_K, 128), jnp.int32)] * 3
            + [pltpu.VMEM((_SUB, EMBED_DIM), jnp.float32)] * _NBUF
            + [pltpu.VMEM_SHARED((NUM_ELEMENTS, EMBED_DIM), jnp.float32)]
            + [pltpu.SemaphoreType.DMA] * (3 + 2 * _NBUF)
        ),
    )
    def emb(table_hbm, idx_hbm, out_hbm, idx0, idx1, idx2,
            buf0, buf1, buf2, buf3, buf4, buf5, table_sp,
            sem_i0, sem_i1, sem_i2,
            sem_g0, sem_g1, sem_g2, sem_g3, sem_g4, sem_g5,
            sem_o0, sem_o1, sem_o2, sem_o3, sem_o4, sem_o5):
        idxs = [idx0, idx1, idx2]
        sem_i = [sem_i0, sem_i1, sem_i2]
        bufs = [buf0, buf1, buf2, buf3, buf4, buf5]
        sem_g = [sem_g0, sem_g1, sem_g2, sem_g3, sem_g4, sem_g5]
        sem_o = [sem_o0, sem_o1, sem_o2, sem_o3, sem_o4, sem_o5]

        sid = lax.axis_index("s")
        wid = sid * _NC + lax.axis_index("c")
        idx_row_base = wid * _IDX_ROWS_PER_W
        out_base = wid * _BPW

        @pl.when(sid == 0)
        def _():
            pltpu.sync_copy(table_hbm, table_sp)

        plsc.subcore_barrier()

        def fire_idx(g, i):
            pltpu.async_copy(
                idx_hbm.at[pl.ds(idx_row_base + g * _K, _K)], idxs[i],
                sem_i[i])

        def wait_idx(i):
            pltpu.make_async_copy(
                idx_hbm.at[pl.ds(idx_row_base, _K)], idxs[i], sem_i[i]
            ).wait()

        def fire_gather(r, b, i):
            pltpu.async_copy(table_sp.at[idxs[i].at[r]], bufs[b], sem_g[b])

        def drain_gather(b):
            pltpu.make_async_copy(
                out_hbm.at[pl.ds(out_base, _SUB)], bufs[b], sem_g[b]
            ).wait()

        def fire_scatter(t, b):
            pltpu.async_copy(
                bufs[b], out_hbm.at[pl.ds(out_base + t * _SUB, _SUB)],
                sem_o[b])

        def drain_scatter(b):
            pltpu.make_async_copy(
                bufs[b], out_hbm.at[pl.ds(out_base, _SUB)], sem_o[b]
            ).wait()

        def one_group(g, r, first=False):
            wait_idx(r)
            fire_idx(jnp.minimum(g + 1, _NGROUP - 1), (r + 1) % 3)
            for s in range(_K):
                b = (2 * r + s) % _NBUF
                if not (first and s < _NBUF):
                    drain_scatter(b)
                fire_gather(s, b, r)
                if not (first and s < _LAG):
                    bp = (2 * r + s - _LAG) % _NBUF
                    drain_gather(bp)
                    fire_scatter(g * _K + s - _LAG, bp)

        fire_idx(0, 0)
        one_group(0, 0, first=True)

        def body(k, carry):
            g = 1 + 3 * k
            one_group(g, 1)
            one_group(g + 1, 2)
            one_group(g + 2, 0)
            return carry

        lax.fori_loop(0, (_NGROUP - 1) // 3, body, 0)

        for d in range(_LAG):
            t = _NSUBW - _LAG + d
            b = (t + 2 * 0) % _NBUF
            drain_gather(b)
            fire_scatter(t, b)
        wait_idx(1)
        for b in range(_NBUF):
            drain_scatter(b)

    return emb


_emb_kernel = _make_sc_kernel()


@jax.jit
def kernel(atom_type_array, embedding_table):
    idx2d = atom_type_array.astype(jnp.int32).reshape(_B // 128, 128)
    out = _emb_kernel(embedding_table, idx2d)
    return out.reshape(atom_type_array.shape + (EMBED_DIM,))

# --- scband reference (transcript-rebuilt; emitter-appended) ---
"""Pipeline reference for scband-atom-embedding-20332375179740 (READ-ONLY COPY).

The authoritative reference and input builder live on the scoring server;
editing this copy changes nothing except your own understanding.
"""

import jax, jax.numpy as jnp
import numpy as np

NUM_ELEMENTS = 100
EMBED_DIM = 128

def setup_inputs(seed: int = 0) -> dict:
    key = jax.random.key(seed)
    k_idx, k_tab = jax.random.split(key)
    atom_type_array = jax.random.randint(k_idx, (16384, 200), 0, NUM_ELEMENTS, dtype=jnp.int64 if jax.config.jax_enable_x64 else jnp.int32)
    # Keras Embedding default initializer is uniform(-0.05, 0.05)
    embedding_table = jax.random.uniform(k_tab, (NUM_ELEMENTS, EMBED_DIM), minval=-0.05, maxval=0.05, dtype=jnp.float32)
    return {"atom_type_array": atom_type_array, "embedding_table": embedding_table}

def reference(atom_type_array, embedding_table):
    # AtomEmbedding.call: embedding lookup of atomic numbers -> feature vectors
    return jnp.take(embedding_table, atom_type_array, axis=0)

if __name__ == "__main__":
    import jax
    _d = setup_inputs()
    print(jax.jit(kernel)(*tuple(_d.values())))

</pallas_src>

<mosaic_0001>
#map = affine_map<(d0, d1) -> (0, 0)>
module attributes {stable_mosaic.version = 14 : i64} {
  func.func @emb(%arg0: i32, %arg1: i32, %arg2: memref<100x128xf32, #tpu.memory_space<hbm>>, %arg3: memref<25600x128xi32, #tpu.memory_space<hbm>>, %arg4: memref<3276800x128xf32, #tpu.memory_space<hbm>>, %arg5: memref<8x128xi32, #tpu.memory_space<vmem>>, %arg6: memref<8x128xi32, #tpu.memory_space<vmem>>, %arg7: memref<8x128xi32, #tpu.memory_space<vmem>>, %arg8: memref<128x128xf32, #tpu.memory_space<vmem>>, %arg9: memref<128x128xf32, #tpu.memory_space<vmem>>, %arg10: memref<128x128xf32, #tpu.memory_space<vmem>>, %arg11: memref<128x128xf32, #tpu.memory_space<vmem>>, %arg12: memref<128x128xf32, #tpu.memory_space<vmem>>, %arg13: memref<128x128xf32, #tpu.memory_space<vmem>>, %arg14: memref<100x128xf32, #tpu.memory_space<vmem_shared>>, %arg15: memref<!tpu.dma_semaphore, #tpu.memory_space<semaphore_mem>>, %arg16: memref<!tpu.dma_semaphore, #tpu.memory_space<semaphore_mem>>, %arg17: memref<!tpu.dma_semaphore, #tpu.memory_space<semaphore_mem>>, %arg18: memref<!tpu.dma_semaphore, #tpu.memory_space<semaphore_mem>>, %arg19: memref<!tpu.dma_semaphore, #tpu.memory_space<semaphore_mem>>, %arg20: memref<!tpu.dma_semaphore, #tpu.memory_space<semaphore_mem>>, %arg21: memref<!tpu.dma_semaphore, #tpu.memory_space<semaphore_mem>>, %arg22: memref<!tpu.dma_semaphore, #tpu.memory_space<semaphore_mem>>, %arg23: memref<!tpu.dma_semaphore, #tpu.memory_space<semaphore_mem>>, %arg24: memref<!tpu.dma_semaphore, #tpu.memory_space<semaphore_mem>>, %arg25: memref<!tpu.dma_semaphore, #tpu.memory_space<semaphore_mem>>, %arg26: memref<!tpu.dma_semaphore, #tpu.memory_space<semaphore_mem>>, %arg27: memref<!tpu.dma_semaphore, #tpu.memory_space<semaphore_mem>>, %arg28: memref<!tpu.dma_semaphore, #tpu.memory_space<semaphore_mem>>, %arg29: memref<!tpu.dma_semaphore, #tpu.memory_space<semaphore_mem>>) attributes {dimension_semantics = [#tpu.dimension_semantics<core_parallel>, #tpu.dimension_semantics<subcore_parallel>], iteration_bounds = array<i64: 2, 16>, scalar_prefetch = 0 : i64, scratch_operands = 25 : i64, tpu.core_type = #tpu.core_type<sc_vector_subcore>, window_params = [{transform_indices = #map}, {transform_indices = #map}, {transform_indices = #map}]} {
    %mul3A = arith.constant 2 : i32
    %mul3A_0 = arith.muli %arg1, %mul3A : i32
    %add3A = arith.addi %mul3A_0, %arg0 : i32
    %mul3A_1 = arith.constant 800 : i32
    %mul3A_2 = arith.muli %add3A, %mul3A_1 : i32
    %mul3A_3 = arith.constant 102400 : i32
    %mul3A_4 = arith.muli %add3A, %mul3A_3 : i32
    %eq3A = arith.constant 0 : i32
    %eq3A_5 = arith.cmpi eq, %arg1, %eq3A : i32
    %convert_element_type3A = arith.extui %eq3A_5 : i1 to i32
    %cond3A = arith.constant 0 : i32
    %cond3A_6 = arith.cmpi ne, %convert_element_type3A, %cond3A : i32
    scf.if %cond3A_6 {
      "tpu.region"() ({
        %run_scoped3A = tpu.sem_alloc : memref<!tpu.dma_semaphore, #tpu.memory_space<semaphore_mem>>
        tpu.enqueue_dma source(%arg2 : memref<100x128xf32, #tpu.memory_space<hbm>>) target(%arg14 : memref<100x128xf32, #tpu.memory_space<vmem_shared>>) target_semaphore(%run_scoped3A : memref<!tpu.dma_semaphore, #tpu.memory_space<semaphore_mem>>)
        tpu.wait_dma2 semaphore(%run_scoped3A : memref<!tpu.dma_semaphore, #tpu.memory_space<semaphore_mem>>) src(%arg2 : memref<100x128xf32, #tpu.memory_space<hbm>>) dst(%arg14 : memref<100x128xf32, #tpu.memory_space<vmem_shared>>)
        tpu.yield
      }) : () -> ()
    } else {
    }
    %barrier3A = arith.constant 0 : index
    tpu.barrier barrier_id(%barrier3A)
    %add3A_7 = arith.constant 0 : i32
    %add3A_8 = arith.addi %mul3A_2, %add3A_7 : i32
    %dma_start3A = arith.constant 0 : i32
    %dma_start3A_9 = tpu.memref_slice %arg3[%add3A_8, %dma_start3A] : memref<25600x128xi32, #tpu.memory_space<hbm>> -> memref<8x128xi32, #tpu.memory_space<hbm>>
    %dma_start3A_10 = arith.constant 0 : i32
    %dma_start3A_11 = tpu.memref_slice %arg3[%add3A_8, %dma_start3A_10] : memref<25600x128xi32, #tpu.memory_space<hbm>> -> memref<8x128xi32, #tpu.memory_space<hbm>>
    tpu.enqueue_dma source(%dma_start3A_11 : memref<8x128xi32, #tpu.memory_space<hbm>>) target(%arg5 : memref<8x128xi32, #tpu.memory_space<vmem>>) target_semaphore(%arg15 : memref<!tpu.dma_semaphore, #tpu.memory_space<semaphore_mem>>)
    %dma_wait3A = arith.constant 0 : i32
    %dma_wait3A_12 = tpu.memref_slice %arg3[%mul3A_2, %dma_wait3A] : memref<25600x128xi32, #tpu.memory_space<hbm>> -> memref<8x128xi32, #tpu.memory_space<hbm>>
    %dma_wait3A_13 = arith.constant 0 : i32
    %dma_wait3A_14 = tpu.memref_slice %arg3[%mul3A_2, %dma_wait3A_13] : memref<25600x128xi32, #tpu.memory_space<hbm>> -> memref<8x128xi32, #tpu.memory_space<hbm>>
    tpu.wait_dma2 semaphore(%arg15 : memref<!tpu.dma_semaphore, #tpu.memory_space<semaphore_mem>>) src(%dma_wait3A_14 : memref<8x128xi32, #tpu.memory_space<hbm>>) dst(%arg5 : memref<8x128xi32, #tpu.memory_space<vmem>>)
    %min3A = arith.constant 1 : i32
    %min3A_15 = arith.constant 99 : i32
    %min3A_16 = arith.minsi %min3A, %min3A_15 : i32
    %mul3A_17 = arith.constant 8 : i32
    %mul3A_18 = arith.muli %min3A_16, %mul3A_17 : i32
    %add3A_19 = arith.addi %mul3A_2, %mul3A_18 : i32
    %dma_start3A_20 = arith.constant 0 : i32
    %dma_start3A_21 = tpu.memref_slice %arg3[%add3A_19, %dma_start3A_20] : memref<25600x128xi32, #tpu.memory_space<hbm>> -> memref<8x128xi32, #tpu.memory_space<hbm>>
    %dma_start3A_22 = arith.constant 0 : i32
    %dma_start3A_23 = tpu.memref_slice %arg3[%add3A_19, %dma_start3A_22] : memref<25600x128xi32, #tpu.memory_space<hbm>> -> memref<8x128xi32, #tpu.memory_space<hbm>>
    tpu.enqueue_dma source(%dma_start3A_23 : memref<8x128xi32, #tpu.memory_space<hbm>>) target(%arg6 : memref<8x128xi32, #tpu.memory_space<vmem>>) target_semaphore(%arg16 : memref<!tpu.dma_semaphore, #tpu.memory_space<semaphore_mem>>)
    %dma_start3A_24 = arith.constant 0 : i32
    %dma_start3A_25 = arith.constant 0 : i32
    %dma_start3A_26 = tpu.memref_slice %arg5[%dma_start3A_24, %dma_start3A_25] : memref<8x128xi32, #tpu.memory_space<vmem>> -> memref<1x128xi32, #tpu.memory_space<vmem>>
    %dma_start3A_27 = tpu.memref_squeeze %dma_start3A_26 : memref<1x128xi32, #tpu.memory_space<vmem>> -> memref<128xi32, #tpu.memory_space<vmem>>
    %dma_start3A_28 = arith.constant 0 : i32
    %dma_start3A_29 = arith.constant 0 : i32
    %dma_start3A_30 = tpu.memref_slice %arg14[%dma_start3A_28, %dma_start3A_29] : memref<100x128xf32, #tpu.memory_space<vmem_shared>> -> memref<100x128xf32, #tpu.memory_space<vmem_shared>>
    tpu.enqueue_indirect_dma source(%dma_start3A_30 : memref<100x128xf32, #tpu.memory_space<vmem_shared>>) target(%arg8 : memref<128x128xf32, #tpu.memory_space<vmem>>) offsets(%dma_start3A_27 : memref<128xi32, #tpu.memory_space<vmem>>) semaphore(%arg18 : memref<!tpu.dma_semaphore, #tpu.memory_space<semaphore_mem>>)
    %dma_start3A_31 = arith.constant 1 : i32
    %dma_start3A_32 = arith.constant 0 : i32
    %dma_start3A_33 = tpu.memref_slice %arg5[%dma_start3A_31, %dma_start3A_32] : memref<8x128xi32, #tpu.memory_space<vmem>> -> memref<1x128xi32, #tpu.memory_space<vmem>>
    %dma_start3A_34 = tpu.memref_squeeze %dma_start3A_33 : memref<1x128xi32, #tpu.memory_space<vmem>> -> memref<128xi32, #tpu.memory_space<vmem>>
    %dma_start3A_35 = arith.constant 0 : i32
    %dma_start3A_36 = arith.constant 0 : i32
    %dma_start3A_37 = tpu.memref_slice %arg14[%dma_start3A_35, %dma_start3A_36] : memref<100x128xf32, #tpu.memory_space<vmem_shared>> -> memref<100x128xf32, #tpu.memory_space<vmem_shared>>
    tpu.enqueue_indirect_dma source(%dma_start3A_37 : memref<100x128xf32, #tpu.memory_space<vmem_shared>>) target(%arg9 : memref<128x128xf32, #tpu.memory_space<vmem>>) offsets(%dma_start3A_34 : memref<128xi32, #tpu.memory_space<vmem>>) semaphore(%arg19 : memref<!tpu.dma_semaphore, #tpu.memory_space<semaphore_mem>>)
    %dma_start3A_38 = arith.constant 2 : i32
    %dma_start3A_39 = arith.constant 0 : i32
    %dma_start3A_40 = tpu.memref_slice %arg5[%dma_start3A_38, %dma_start3A_39] : memref<8x128xi32, #tpu.memory_space<vmem>> -> memref<1x128xi32, #tpu.memory_space<vmem>>
    %dma_start3A_41 = tpu.memref_squeeze %dma_start3A_40 : memref<1x128xi32, #tpu.memory_space<vmem>> -> memref<128xi32, #tpu.memory_space<vmem>>
    %dma_start3A_42 = arith.constant 0 : i32
    %dma_start3A_43 = arith.constant 0 : i32
    %dma_start3A_44 = tpu.memref_slice %arg14[%dma_start3A_42, %dma_start3A_43] : memref<100x128xf32, #tpu.memory_space<vmem_shared>> -> memref<100x128xf32, #tpu.memory_space<vmem_shared>>
    tpu.enqueue_indirect_dma source(%dma_start3A_44 : memref<100x128xf32, #tpu.memory_space<vmem_shared>>) target(%arg10 : memref<128x128xf32, #tpu.memory_space<vmem>>) offsets(%dma_start3A_41 : memref<128xi32, #tpu.memory_space<vmem>>) semaphore(%arg20 : memref<!tpu.dma_semaphore, #tpu.memory_space<semaphore_mem>>)
    %dma_wait3A_45 = arith.constant 0 : i32
    %dma_wait3A_46 = tpu.memref_slice %arg4[%mul3A_4, %dma_wait3A_45] : memref<3276800x128xf32, #tpu.memory_space<hbm>> -> memref<128x128xf32, #tpu.memory_space<hbm>>
    %dma_wait3A_47 = arith.constant 0 : i32
    %dma_wait3A_48 = tpu.memref_slice %arg4[%mul3A_4, %dma_wait3A_47] : memref<3276800x128xf32, #tpu.memory_space<hbm>> -> memref<128x128xf32, #tpu.memory_space<hbm>>
    tpu.wait_dma2 semaphore(%arg18 : memref<!tpu.dma_semaphore, #tpu.memory_space<semaphore_mem>>) src(%dma_wait3A_48 : memref<128x128xf32, #tpu.memory_space<hbm>>) dst(%arg8 : memref<128x128xf32, #tpu.memory_space<vmem>>)
    %add3A_49 = arith.constant 0 : i32
    %add3A_50 = arith.addi %mul3A_4, %add3A_49 : i32
    %dma_start3A_51 = arith.constant 0 : i32
    %dma_start3A_52 = tpu.memref_slice %arg4[%add3A_50, %dma_start3A_51] : memref<3276800x128xf32, #tpu.memory_space<hbm>> -> memref<128x128xf32, #tpu.memory_space<hbm>>
    %dma_start3A_53 = arith.constant 0 : i32
    %dma_start3A_54 = tpu.memref_slice %arg4[%add3A_50, %dma_start3A_53] : memref<3276800x128xf32, #tpu.memory_space<hbm>> -> memref<128x128xf32, #tpu.memory_space<hbm>>
    tpu.enqueue_dma source(%arg8 : memref<128x128xf32, #tpu.memory_space<vmem>>) target(%dma_start3A_54 : memref<128x128xf32, #tpu.memory_space<hbm>>) target_semaphore(%arg24 : memref<!tpu.dma_semaphore, #tpu.memory_space<semaphore_mem>>)
    %dma_start3A_55 = arith.constant 3 : i32
    %dma_start3A_56 = arith.constant 0 : i32
    %dma_start3A_57 = tpu.memref_slice %arg5[%dma_start3A_55, %dma_start3A_56] : memref<8x128xi32, #tpu.memory_space<vmem>> -> memref<1x128xi32, #tpu.memory_space<vmem>>
    %dma_start3A_58 = tpu.memref_squeeze %dma_start3A_57 : memref<1x128xi32, #tpu.memory_space<vmem>> -> memref<128xi32, #tpu.memory_space<vmem>>
    %dma_start3A_59 = arith.constant 0 : i32
    %dma_start3A_60 = arith.constant 0 : i32
    %dma_start3A_61 = tpu.memref_slice %arg14[%dma_start3A_59, %dma_start3A_60] : memref<100x128xf32, #tpu.memory_space<vmem_shared>> -> memref<100x128xf32, #tpu.memory_space<vmem_shared>>
    tpu.enqueue_indirect_dma source(%dma_start3A_61 : memref<100x128xf32, #tpu.memory_space<vmem_shared>>) target(%arg11 : memref<128x128xf32, #tpu.memory_space<vmem>>) offsets(%dma_start3A_58 : memref<128xi32, #tpu.memory_space<vmem>>) semaphore(%arg21 : memref<!tpu.dma_semaphore, #tpu.memory_space<semaphore_mem>>)
    %dma_wait3A_62 = arith.constant 0 : i32
    %dma_wait3A_63 = tpu.memref_slice %arg4[%mul3A_4, %dma_wait3A_62] : memref<3276800x128xf32, #tpu.memory_space<hbm>> -> memref<128x128xf32, #tpu.memory_space<hbm>>
    %dma_wait3A_64 = arith.constant 0 : i32
    %dma_wait3A_65 = tpu.memref_slice %arg4[%mul3A_4, %dma_wait3A_64] : memref<3276800x128xf32, #tpu.memory_space<hbm>> -> memref<128x128xf32, #tpu.memory_space<hbm>>
    tpu.wait_dma2 semaphore(%arg19 : memref<!tpu.dma_semaphore, #tpu.memory_space<semaphore_mem>>) src(%dma_wait3A_65 : memref<128x128xf32, #tpu.memory_space<hbm>>) dst(%arg9 : memref<128x128xf32, #tpu.memory_space<vmem>>)
    %add3A_66 = arith.constant 128 : i32
    %add3A_67 = arith.addi %mul3A_4, %add3A_66 : i32
    %dma_start3A_68 = arith.constant 0 : i32
    %dma_start3A_69 = tpu.memref_slice %arg4[%add3A_67, %dma_start3A_68] : memref<3276800x128xf32, #tpu.memory_space<hbm>> -> memref<128x128xf32, #tpu.memory_space<hbm>>
    %dma_start3A_70 = arith.constant 0 : i32
    %dma_start3A_71 = tpu.memref_slice %arg4[%add3A_67, %dma_start3A_70] : memref<3276800x128xf32, #tpu.memory_space<hbm>> -> memref<128x128xf32, #tpu.memory_space<hbm>>
    tpu.enqueue_dma source(%arg9 : memref<128x128xf32, #tpu.memory_space<vmem>>) target(%dma_start3A_71 : memref<128x128xf32, #tpu.memory_space<hbm>>) target_semaphore(%arg25 : memref<!tpu.dma_semaphore, #tpu.memory_space<semaphore_mem>>)
    %dma_start3A_72 = arith.constant 4 : i32
    %dma_start3A_73 = arith.constant 0 : i32
    %dma_start3A_74 = tpu.memref_slice %arg5[%dma_start3A_72, %dma_start3A_73] : memref<8x128xi32, #tpu.memory_space<vmem>> -> memref<1x128xi32, #tpu.memory_space<vmem>>
    %dma_start3A_75 = tpu.memref_squeeze %dma_start3A_74 : memref<1x128xi32, #tpu.memory_space<vmem>> -> memref<128xi32, #tpu.memory_space<vmem>>
    %dma_start3A_76 = arith.constant 0 : i32
    %dma_start3A_77 = arith.constant 0 : i32
    %dma_start3A_78 = tpu.memref_slice %arg14[%dma_start3A_76, %dma_start3A_77] : memref<100x128xf32, #tpu.memory_space<vmem_shared>> -> memref<100x128xf32, #tpu.memory_space<vmem_shared>>
    tpu.enqueue_indirect_dma source(%dma_start3A_78 : memref<100x128xf32, #tpu.memory_space<vmem_shared>>) target(%arg12 : memref<128x128xf32, #tpu.memory_space<vmem>>) offsets(%dma_start3A_75 : memref<128xi32, #tpu.memory_space<vmem>>) semaphore(%arg22 : memref<!tpu.dma_semaphore, #tpu.memory_space<semaphore_mem>>)
    %dma_wait3A_79 = arith.constant 0 : i32
    %dma_wait3A_80 = tpu.memref_slice %arg4[%mul3A_4, %dma_wait3A_79] : memref<3276800x128xf32, #tpu.memory_space<hbm>> -> memref<128x128xf32, #tpu.memory_space<hbm>>
    %dma_wait3A_81 = arith.constant 0 : i32
    %dma_wait3A_82 = tpu.memref_slice %arg4[%mul3A_4, %dma_wait3A_81] : memref<3276800x128xf32, #tpu.memory_space<hbm>> -> memref<128x128xf32, #tpu.memory_space<hbm>>
    tpu.wait_dma2 semaphore(%arg20 : memref<!tpu.dma_semaphore, #tpu.memory_space<semaphore_mem>>) src(%dma_wait3A_82 : memref<128x128xf32, #tpu.memory_space<hbm>>) dst(%arg10 : memref<128x128xf32, #tpu.memory_space<vmem>>)
    %add3A_83 = arith.constant 256 : i32
    %add3A_84 = arith.addi %mul3A_4, %add3A_83 : i32
    %dma_start3A_85 = arith.constant 0 : i32
    %dma_start3A_86 = tpu.memref_slice %arg4[%add3A_84, %dma_start3A_85] : memref<3276800x128xf32, #tpu.memory_space<hbm>> -> memref<128x128xf32, #tpu.memory_space<hbm>>
    %dma_start3A_87 = arith.constant 0 : i32
    %dma_start3A_88 = tpu.memref_slice %arg4[%add3A_84, %dma_start3A_87] : memref<3276800x128xf32, #tpu.memory_space<hbm>> -> memref<128x128xf32, #tpu.memory_space<hbm>>
    tpu.enqueue_dma source(%arg10 : memref<128x128xf32, #tpu.memory_space<vmem>>) target(%dma_start3A_88 : memref<128x128xf32, #tpu.memory_space<hbm>>) target_semaphore(%arg26 : memref<!tpu.dma_semaphore, #tpu.memory_space<semaphore_mem>>)
    %dma_start3A_89 = arith.constant 5 : i32
    %dma_start3A_90 = arith.constant 0 : i32
    %dma_start3A_91 = tpu.memref_slice %arg5[%dma_start3A_89, %dma_start3A_90] : memref<8x128xi32, #tpu.memory_space<vmem>> -> memref<1x128xi32, #tpu.memory_space<vmem>>
    %dma_start3A_92 = tpu.memref_squeeze %dma_start3A_91 : memref<1x128xi32, #tpu.memory_space<vmem>> -> memref<128xi32, #tpu.memory_space<vmem>>
    %dma_start3A_93 = arith.constant 0 : i32
    %dma_start3A_94 = arith.constant 0 : i32
    %dma_start3A_95 = tpu.memref_slice %arg14[%dma_start3A_93, %dma_start3A_94] : memref<100x128xf32, #tpu.memory_space<vmem_shared>> -> memref<100x128xf32, #tpu.memory_space<vmem_shared>>
    tpu.enqueue_indirect_dma source(%dma_start3A_95 : memref<100x128xf32, #tpu.memory_space<vmem_shared>>) target(%arg13 : memref<128x128xf32, #tpu.memory_space<vmem>>) offsets(%dma_start3A_92 : memref<128xi32, #tpu.memory_space<vmem>>) semaphore(%arg23 : memref<!tpu.dma_semaphore, #tpu.memory_space<semaphore_mem>>)
    %dma_wait3A_96 = arith.constant 0 : i32
    %dma_wait3A_97 = tpu.memref_slice %arg4[%mul3A_4, %dma_wait3A_96] : memref<3276800x128xf32, #tpu.memory_space<hbm>> -> memref<128x128xf32, #tpu.memory_space<hbm>>
    %dma_wait3A_98 = arith.constant 0 : i32
    %dma_wait3A_99 = tpu.memref_slice %arg4[%mul3A_4, %dma_wait3A_98] : memref<3276800x128xf32, #tpu.memory_space<hbm>> -> memref<128x128xf32, #tpu.memory_space<hbm>>
    tpu.wait_dma2 semaphore(%arg21 : memref<!tpu.dma_semaphore, #tpu.memory_space<semaphore_mem>>) src(%dma_wait3A_99 : memref<128x128xf32, #tpu.memory_space<hbm>>) dst(%arg11 : memref<128x128xf32, #tpu.memory_space<vmem>>)
    %add3A_100 = arith.constant 384 : i32
    %add3A_101 = arith.addi %mul3A_4, %add3A_100 : i32
    %dma_start3A_102 = arith.constant 0 : i32
    %dma_start3A_103 = tpu.memref_slice %arg4[%add3A_101, %dma_start3A_102] : memref<3276800x128xf32, #tpu.memory_space<hbm>> -> memref<128x128xf32, #tpu.memory_space<hbm>>
    %dma_start3A_104 = arith.constant 0 : i32
    %dma_start3A_105 = tpu.memref_slice %arg4[%add3A_101, %dma_start3A_104] : memref<3276800x128xf32, #tpu.memory_space<hbm>> -> memref<128x128xf32, #tpu.memory_space<hbm>>
    tpu.enqueue_dma source(%arg11 : memref<128x128xf32, #tpu.memory_space<vmem>>) target(%dma_start3A_105 : memref<128x128xf32, #tpu.memory_space<hbm>>) target_semaphore(%arg27 : memref<!tpu.dma_semaphore, #tpu.memory_space<semaphore_mem>>)
    %dma_wait3A_106 = arith.constant 0 : i32
    %dma_wait3A_107 = tpu.memref_slice %arg4[%mul3A_4, %dma_wait3A_106] : memref<3276800x128xf32, #tpu.memory_space<hbm>> -> memref<128x128xf32, #tpu.memory_space<hbm>>
    %dma_wait3A_108 = arith.constant 0 : i32
    %dma_wait3A_109 = tpu.memref_slice %arg4[%mul3A_4, %dma_wait3A_108] : memref<3276800x128xf32, #tpu.memory_space<hbm>> -> memref<128x128xf32, #tpu.memory_space<hbm>>
    tpu.wait_dma2 semaphore(%arg24 : memref<!tpu.dma_semaphore, #tpu.memory_space<semaphore_mem>>) src(%arg8 : memref<128x128xf32, #tpu.memory_space<vmem>>) dst(%dma_wait3A_109 : memref<128x128xf32, #tpu.memory_space<hbm>>)
    %dma_start3A_110 = arith.constant 6 : i32
    %dma_start3A_111 = arith.constant 0 : i32
    %dma_start3A_112 = tpu.memref_slice %arg5[%dma_start3A_110, %dma_start3A_111] : memref<8x128xi32, #tpu.memory_space<vmem>> -> memref<1x128xi32, #tpu.memory_space<vmem>>
    %dma_start3A_113 = tpu.memref_squeeze %dma_start3A_112 : memref<1x128xi32, #tpu.memory_space<vmem>> -> memref<128xi32, #tpu.memory_space<vmem>>
    %dma_start3A_114 = arith.constant 0 : i32
    %dma_start3A_115 = arith.constant 0 : i32
    %dma_start3A_116 = tpu.memref_slice %arg14[%dma_start3A_114, %dma_start3A_115] : memref<100x128xf32, #tpu.memory_space<vmem_shared>> -> memref<100x128xf32, #tpu.memory_space<vmem_shared>>
    tpu.enqueue_indirect_dma source(%dma_start3A_116 : memref<100x128xf32, #tpu.memory_space<vmem_shared>>) target(%arg8 : memref<128x128xf32, #tpu.memory_space<vmem>>) offsets(%dma_start3A_113 : memref<128xi32, #tpu.memory_space<vmem>>) semaphore(%arg18 : memref<!tpu.dma_semaphore, #tpu.memory_space<semaphore_mem>>)
    %dma_wait3A_117 = arith.constant 0 : i32
    %dma_wait3A_118 = tpu.memref_slice %arg4[%mul3A_4, %dma_wait3A_117] : memref<3276800x128xf32, #tpu.memory_space<hbm>> -> memref<128x128xf32, #tpu.memory_space<hbm>>
    %dma_wait3A_119 = arith.constant 0 : i32
    %dma_wait3A_120 = tpu.memref_slice %arg4[%mul3A_4, %dma_wait3A_119] : memref<3276800x128xf32, #tpu.memory_space<hbm>> -> memref<128x128xf32, #tpu.memory_space<hbm>>
    tpu.wait_dma2 semaphore(%arg22 : memref<!tpu.dma_semaphore, #tpu.memory_space<semaphore_mem>>) src(%dma_wait3A_120 : memref<128x128xf32, #tpu.memory_space<hbm>>) dst(%arg12 : memref<128x128xf32, #tpu.memory_space<vmem>>)
    %add3A_121 = arith.constant 512 : i32
    %add3A_122 = arith.addi %mul3A_4, %add3A_121 : i32
    %dma_start3A_123 = arith.constant 0 : i32
    %dma_start3A_124 = tpu.memref_slice %arg4[%add3A_122, %dma_start3A_123] : memref<3276800x128xf32, #tpu.memory_space<hbm>> -> memref<128x128xf32, #tpu.memory_space<hbm>>
    %dma_start3A_125 = arith.constant 0 : i32
    %dma_start3A_126 = tpu.memref_slice %arg4[%add3A_122, %dma_start3A_125] : memref<3276800x128xf32, #tpu.memory_space<hbm>> -> memref<128x128xf32, #tpu.memory_space<hbm>>
    tpu.enqueue_dma source(%arg12 : memref<128x128xf32, #tpu.memory_space<vmem>>) target(%dma_start3A_126 : memref<128x128xf32, #tpu.memory_space<hbm>>) target_semaphore(%arg28 : memref<!tpu.dma_semaphore, #tpu.memory_space<semaphore_mem>>)
    %dma_wait3A_127 = arith.constant 0 : i32
    %dma_wait3A_128 = tpu.memref_slice %arg4[%mul3A_4, %dma_wait3A_127] : memref<3276800x128xf32, #tpu.memory_space<hbm>> -> memref<128x128xf32, #tpu.memory_space<hbm>>
    %dma_wait3A_129 = arith.constant 0 : i32
    %dma_wait3A_130 = tpu.memref_slice %arg4[%mul3A_4, %dma_wait3A_129] : memref<3276800x128xf32, #tpu.memory_space<hbm>> -> memref<128x128xf32, #tpu.memory_space<hbm>>
    tpu.wait_dma2 semaphore(%arg25 : memref<!tpu.dma_semaphore, #tpu.memory_space<semaphore_mem>>) src(%arg9 : memref<128x128xf32, #tpu.memory_space<vmem>>) dst(%dma_wait3A_130 : memref<128x128xf32, #tpu.memory_space<hbm>>)
    %dma_start3A_131 = arith.constant 7 : i32
    %dma_start3A_132 = arith.constant 0 : i32
    %dma_start3A_133 = tpu.memref_slice %arg5[%dma_start3A_131, %dma_start3A_132] : memref<8x128xi32, #tpu.memory_space<vmem>> -> memref<1x128xi32, #tpu.memory_space<vmem>>
    %dma_start3A_134 = tpu.memref_squeeze %dma_start3A_133 : memref<1x128xi32, #tpu.memory_space<vmem>> -> memref<128xi32, #tpu.memory_space<vmem>>
    %dma_start3A_135 = arith.constant 0 : i32
    %dma_start3A_136 = arith.constant 0 : i32
    %dma_start3A_137 = tpu.memref_slice %arg14[%dma_start3A_135, %dma_start3A_136] : memref<100x128xf32, #tpu.memory_space<vmem_shared>> -> memref<100x128xf32, #tpu.memory_space<vmem_shared>>
    tpu.enqueue_indirect_dma source(%dma_start3A_137 : memref<100x128xf32, #tpu.memory_space<vmem_shared>>) target(%arg9 : memref<128x128xf32, #tpu.memory_space<vmem>>) offsets(%dma_start3A_134 : memref<128xi32, #tpu.memory_space<vmem>>) semaphore(%arg19 : memref<!tpu.dma_semaphore, #tpu.memory_space<semaphore_mem>>)
    %dma_wait3A_138 = arith.constant 0 : i32
    %dma_wait3A_139 = tpu.memref_slice %arg4[%mul3A_4, %dma_wait3A_138] : memref<3276800x128xf32, #tpu.memory_space<hbm>> -> memref<128x128xf32, #tpu.memory_space<hbm>>
    %dma_wait3A_140 = arith.constant 0 : i32
    %dma_wait3A_141 = tpu.memref_slice %arg4[%mul3A_4, %dma_wait3A_140] : memref<3276800x128xf32, #tpu.memory_space<hbm>> -> memref<128x128xf32, #tpu.memory_space<hbm>>
    tpu.wait_dma2 semaphore(%arg23 : memref<!tpu.dma_semaphore, #tpu.memory_space<semaphore_mem>>) src(%dma_wait3A_141 : memref<128x128xf32, #tpu.memory_space<hbm>>) dst(%arg13 : memref<128x128xf32, #tpu.memory_space<vmem>>)
    %add3A_142 = arith.constant 640 : i32
    %add3A_143 = arith.addi %mul3A_4, %add3A_142 : i32
    %dma_start3A_144 = arith.constant 0 : i32
    %dma_start3A_145 = tpu.memref_slice %arg4[%add3A_143, %dma_start3A_144] : memref<3276800x128xf32, #tpu.memory_space<hbm>> -> memref<128x128xf32, #tpu.memory_space<hbm>>
    %dma_start3A_146 = arith.constant 0 : i32
    %dma_start3A_147 = tpu.memref_slice %arg4[%add3A_143, %dma_start3A_146] : memref<3276800x128xf32, #tpu.memory_space<hbm>> -> memref<128x128xf32, #tpu.memory_space<hbm>>
    tpu.enqueue_dma source(%arg13 : memref<128x128xf32, #tpu.memory_space<vmem>>) target(%dma_start3A_147 : memref<128x128xf32, #tpu.memory_space<hbm>>) target_semaphore(%arg29 : memref<!tpu.dma_semaphore, #tpu.memory_space<semaphore_mem>>)
    %scan3A = arith.constant 0 : i32
    %scan3A_148 = arith.constant 0 : i32
    %scan3A_149 = arith.constant 33 : i32
    %scan3A_150 = arith.addi %scan3A_148, %scan3A_149 : i32
    %scan3A_151 = arith.constant 1 : i32
    scf.for %scan3A_201 = %scan3A_148 to %scan3A_150 step %scan3A_151  : i32 {
      %mul3A_202 = arith.constant 3 : i32
      %mul3A_203 = arith.muli %mul3A_202, %scan3A_201 : i32
      %add3A_204 = arith.constant 1 : i32
      %add3A_205 = arith.addi %add3A_204, %mul3A_203 : i32
      %dma_wait3A_206 = arith.constant 0 : i32
      %dma_wait3A_207 = tpu.memref_slice %arg3[%mul3A_2, %dma_wait3A_206] : memref<25600x128xi32, #tpu.memory_space<hbm>> -> memref<8x128xi32, #tpu.memory_space<hbm>>
      %dma_wait3A_208 = arith.constant 0 : i32
      %dma_wait3A_209 = tpu.memref_slice %arg3[%mul3A_2, %dma_wait3A_208] : memref<25600x128xi32, #tpu.memory_space<hbm>> -> memref<8x128xi32, #tpu.memory_space<hbm>>
      tpu.wait_dma2 semaphore(%arg16 : memref<!tpu.dma_semaphore, #tpu.memory_space<semaphore_mem>>) src(%dma_wait3A_209 : memref<8x128xi32, #tpu.memory_space<hbm>>) dst(%arg6 : memref<8x128xi32, #tpu.memory_space<vmem>>)
      %add3A_210 = arith.constant 1 : i32
      %add3A_211 = arith.addi %add3A_205, %add3A_210 : i32
      %min3A_212 = arith.constant 99 : i32
      %min3A_213 = arith.minsi %add3A_211, %min3A_212 : i32
      %mul3A_214 = arith.constant 8 : i32
      %mul3A_215 = arith.muli %min3A_213, %mul3A_214 : i32
      %add3A_216 = arith.addi %mul3A_2, %mul3A_215 : i32
      %dma_start3A_217 = arith.constant 0 : i32
      %dma_start3A_218 = tpu.memref_slice %arg3[%add3A_216, %dma_start3A_217] : memref<25600x128xi32, #tpu.memory_space<hbm>> -> memref<8x128xi32, #tpu.memory_space<hbm>>
      %dma_start3A_219 = arith.constant 0 : i32
      %dma_start3A_220 = tpu.memref_slice %arg3[%add3A_216, %dma_start3A_219] : memref<25600x128xi32, #tpu.memory_space<hbm>> -> memref<8x128xi32, #tpu.memory_space<hbm>>
      tpu.enqueue_dma source(%dma_start3A_220 : memref<8x128xi32, #tpu.memory_space<hbm>>) target(%arg7 : memref<8x128xi32, #tpu.memory_space<vmem>>) target_semaphore(%arg17 : memref<!tpu.dma_semaphore, #tpu.memory_space<semaphore_mem>>)
      %dma_wait3A_221 = arith.constant 0 : i32
      %dma_wait3A_222 = tpu.memref_slice %arg4[%mul3A_4, %dma_wait3A_221] : memref<3276800x128xf32, #tpu.memory_space<hbm>> -> memref<128x128xf32, #tpu.memory_space<hbm>>
      %dma_wait3A_223 = arith.constant 0 : i32
      %dma_wait3A_224 = tpu.memref_slice %arg4[%mul3A_4, %dma_wait3A_223] : memref<3276800x128xf32, #tpu.memory_space<hbm>> -> memref<128x128xf32, #tpu.memory_space<hbm>>
      tpu.wait_dma2 semaphore(%arg26 : memref<!tpu.dma_semaphore, #tpu.memory_space<semaphore_mem>>) src(%arg10 : memref<128x128xf32, #tpu.memory_space<vmem>>) dst(%dma_wait3A_224 : memref<128x128xf32, #tpu.memory_space<hbm>>)
      %dma_start3A_225 = arith.constant 0 : i32
      %dma_start3A_226 = arith.constant 0 : i32
      %dma_start3A_227 = tpu.memref_slice %arg6[%dma_start3A_225, %dma_start3A_226] : memref<8x128xi32, #tpu.memory_space<vmem>> -> memref<1x128xi32, #tpu.memory_space<vmem>>
      %dma_start3A_228 = tpu.memref_squeeze %dma_start3A_227 : memref<1x128xi32, #tpu.memory_space<vmem>> -> memref<128xi32, #tpu.memory_space<vmem>>
      %dma_start3A_229 = arith.constant 0 : i32
      %dma_start3A_230 = arith.constant 0 : i32
      %dma_start3A_231 = tpu.memref_slice %arg14[%dma_start3A_229, %dma_start3A_230] : memref<100x128xf32, #tpu.memory_space<vmem_shared>> -> memref<100x128xf32, #tpu.memory_space<vmem_shared>>
      tpu.enqueue_indirect_dma source(%dma_start3A_231 : memref<100x128xf32, #tpu.memory_space<vmem_shared>>) target(%arg10 : memref<128x128xf32, #tpu.memory_space<vmem>>) offsets(%dma_start3A_228 : memref<128xi32, #tpu.memory_space<vmem>>) semaphore(%arg20 : memref<!tpu.dma_semaphore, #tpu.memory_space<semaphore_mem>>)
      %dma_wait3A_232 = arith.constant 0 : i32
      %dma_wait3A_233 = tpu.memref_slice %arg4[%mul3A_4, %dma_wait3A_232] : memref<3276800x128xf32, #tpu.memory_space<hbm>> -> memref<128x128xf32, #tpu.memory_space<hbm>>
      %dma_wait3A_234 = arith.constant 0 : i32
      %dma_wait3A_235 = tpu.memref_slice %arg4[%mul3A_4, %dma_wait3A_234] : memref<3276800x128xf32, #tpu.memory_space<hbm>> -> memref<128x128xf32, #tpu.memory_space<hbm>>
      tpu.wait_dma2 semaphore(%arg18 : memref<!tpu.dma_semaphore, #tpu.memory_space<semaphore_mem>>) src(%dma_wait3A_235 : memref<128x128xf32, #tpu.memory_space<hbm>>) dst(%arg8 : memref<128x128xf32, #tpu.memory_space<vmem>>)
      %mul3A_236 = arith.constant 8 : i32
      %mul3A_237 = arith.muli %add3A_205, %mul3A_236 : i32
      %add3A_238 = arith.constant 0 : i32
      %add3A_239 = arith.addi %mul3A_237, %add3A_238 : i32
      %sub3A = arith.constant 2 : i32
      %sub3A_240 = arith.subi %add3A_239, %sub3A : i32
      %mul3A_241 = arith.constant 128 : i32
      %mul3A_242 = arith.muli %sub3A_240, %mul3A_241 : i32
      %add3A_243 = arith.addi %mul3A_4, %mul3A_242 : i32
      %dma_start3A_244 = arith.constant 0 : i32
      %dma_start3A_245 = tpu.memref_slice %arg4[%add3A_243, %dma_start3A_244] : memref<3276800x128xf32, #tpu.memory_space<hbm>> -> memref<128x128xf32, #tpu.memory_space<hbm>>
      %dma_start3A_246 = arith.constant 0 : i32
      %dma_start3A_247 = tpu.memref_slice %arg4[%add3A_243, %dma_start3A_246] : memref<3276800x128xf32, #tpu.memory_space<hbm>> -> memref<128x128xf32, #tpu.memory_space<hbm>>
      tpu.enqueue_dma source(%arg8 : memref<128x128xf32, #tpu.memory_space<vmem>>) target(%dma_start3A_247 : memref<128x128xf32, #tpu.memory_space<hbm>>) target_semaphore(%arg24 : memref<!tpu.dma_semaphore, #tpu.memory_space<semaphore_mem>>)
      %dma_wait3A_248 = arith.constant 0 : i32
      %dma_wait3A_249 = tpu.memref_slice %arg4[%mul3A_4, %dma_wait3A_248] : memref<3276800x128xf32, #tpu.memory_space<hbm>> -> memref<128x128xf32, #tpu.memory_space<hbm>>
      %dma_wait3A_250 = arith.constant 0 : i32
      %dma_wait3A_251 = tpu.memref_slice %arg4[%mul3A_4, %dma_wait3A_250] : memref<3276800x128xf32, #tpu.memory_space<hbm>> -> memref<128x128xf32, #tpu.memory_space<hbm>>
      tpu.wait_dma2 semaphore(%arg27 : memref<!tpu.dma_semaphore, #tpu.memory_space<semaphore_mem>>) src(%arg11 : memref<128x128xf32, #tpu.memory_space<vmem>>) dst(%dma_wait3A_251 : memref<128x128xf32, #tpu.memory_space<hbm>>)
      %dma_start3A_252 = arith.constant 1 : i32
      %dma_start3A_253 = arith.constant 0 : i32
      %dma_start3A_254 = tpu.memref_slice %arg6[%dma_start3A_252, %dma_start3A_253] : memref<8x128xi32, #tpu.memory_space<vmem>> -> memref<1x128xi32, #tpu.memory_space<vmem>>
      %dma_start3A_255 = tpu.memref_squeeze %dma_start3A_254 : memref<1x128xi32, #tpu.memory_space<vmem>> -> memref<128xi32, #tpu.memory_space<vmem>>
      %dma_start3A_256 = arith.constant 0 : i32
      %dma_start3A_257 = arith.constant 0 : i32
      %dma_start3A_258 = tpu.memref_slice %arg14[%dma_start3A_256, %dma_start3A_257] : memref<100x128xf32, #tpu.memory_space<vmem_shared>> -> memref<100x128xf32, #tpu.memory_space<vmem_shared>>
      tpu.enqueue_indirect_dma source(%dma_start3A_258 : memref<100x128xf32, #tpu.memory_space<vmem_shared>>) target(%arg11 : memref<128x128xf32, #tpu.memory_space<vmem>>) offsets(%dma_start3A_255 : memref<128xi32, #tpu.memory_space<vmem>>) semaphore(%arg21 : memref<!tpu.dma_semaphore, #tpu.memory_space<semaphore_mem>>)
      %dma_wait3A_259 = arith.constant 0 : i32
      %dma_wait3A_260 = tpu.memref_slice %arg4[%mul3A_4, %dma_wait3A_259] : memref<3276800x128xf32, #tpu.memory_space<hbm>> -> memref<128x128xf32, #tpu.memory_space<hbm>>
      %dma_wait3A_261 = arith.constant 0 : i32
      %dma_wait3A_262 = tpu.memref_slice %arg4[%mul3A_4, %dma_wait3A_261] : memref<3276800x128xf32, #tpu.memory_space<hbm>> -> memref<128x128xf32, #tpu.memory_space<hbm>>
      tpu.wait_dma2 semaphore(%arg19 : memref<!tpu.dma_semaphore, #tpu.memory_space<semaphore_mem>>) src(%dma_wait3A_262 : memref<128x128xf32, #tpu.memory_space<hbm>>) dst(%arg9 : memref<128x128xf32, #tpu.memory_space<vmem>>)
      %mul3A_263 = arith.constant 8 : i32
      %mul3A_264 = arith.muli %add3A_205, %mul3A_263 : i32
      %add3A_265 = arith.constant 1 : i32
      %add3A_266 = arith.addi %mul3A_264, %add3A_265 : i32
      %sub3A_267 = arith.constant 2 : i32
      %sub3A_268 = arith.subi %add3A_266, %sub3A_267 : i32
      %mul3A_269 = arith.constant 128 : i32
      %mul3A_270 = arith.muli %sub3A_268, %mul3A_269 : i32
      %add3A_271 = arith.addi %mul3A_4, %mul3A_270 : i32
      %dma_start3A_272 = arith.constant 0 : i32
      %dma_start3A_273 = tpu.memref_slice %arg4[%add3A_271, %dma_start3A_272] : memref<3276800x128xf32, #tpu.memory_space<hbm>> -> memref<128x128xf32, #tpu.memory_space<hbm>>
      %dma_start3A_274 = arith.constant 0 : i32
      %dma_start3A_275 = tpu.memref_slice %arg4[%add3A_271, %dma_start3A_274] : memref<3276800x128xf32, #tpu.memory_space<hbm>> -> memref<128x128xf32, #tpu.memory_space<hbm>>
      tpu.enqueue_dma source(%arg9 : memref<128x128xf32, #tpu.memory_space<vmem>>) target(%dma_start3A_275 : memref<128x128xf32, #tpu.memory_space<hbm>>) target_semaphore(%arg25 : memref<!tpu.dma_semaphore, #tpu.memory_space<semaphore_mem>>)
      %dma_wait3A_276 = arith.constant 0 : i32
      %dma_wait3A_277 = tpu.memref_slice %arg4[%mul3A_4, %dma_wait3A_276] : memref<3276800x128xf32, #tpu.memory_space<hbm>> -> memref<128x128xf32, #tpu.memory_space<hbm>>
      %dma_wait3A_278 = arith.constant 0 : i32
      %dma_wait3A_279 = tpu.memref_slice %arg4[%mul3A_4, %dma_wait3A_278] : memref<3276800x128xf32, #tpu.memory_space<hbm>> -> memref<128x128xf32, #tpu.memory_space<hbm>>
      tpu.wait_dma2 semaphore(%arg28 : memref<!tpu.dma_semaphore, #tpu.memory_space<semaphore_mem>>) src(%arg12 : memref<128x128xf32, #tpu.memory_space<vmem>>) dst(%dma_wait3A_279 : memref<128x128xf32, #tpu.memory_space<hbm>>)
      %dma_start3A_280 = arith.constant 2 : i32
      %dma_start3A_281 = arith.constant 0 : i32
      %dma_start3A_282 = tpu.memref_slice %arg6[%dma_start3A_280, %dma_start3A_281] : memref<8x128xi32, #tpu.memory_space<vmem>> -> memref<1x128xi32, #tpu.memory_space<vmem>>
      %dma_start3A_283 = tpu.memref_squeeze %dma_start3A_282 : memref<1x128xi32, #tpu.memory_space<vmem>> -> memref<128xi32, #tpu.memory_space<vmem>>
      %dma_start3A_284 = arith.constant 0 : i32
      %dma_start3A_285 = arith.constant 0 : i32
      %dma_start3A_286 = tpu.memref_slice %arg14[%dma_start3A_284, %dma_start3A_285] : memref<100x128xf32, #tpu.memory_space<vmem_shared>> -> memref<100x128xf32, #tpu.memory_space<vmem_shared>>
      tpu.enqueue_indirect_dma source(%dma_start3A_286 : memref<100x128xf32, #tpu.memory_space<vmem_shared>>) target(%arg12 : memref<128x128xf32, #tpu.memory_space<vmem>>) offsets(%dma_start3A_283 : memref<128xi32, #tpu.memory_space<vmem>>) semaphore(%arg22 : memref<!tpu.dma_semaphore, #tpu.memory_space<semaphore_mem>>)
      %dma_wait3A_287 = arith.constant 0 : i32
      %dma_wait3A_288 = tpu.memref_slice %arg4[%mul3A_4, %dma_wait3A_287] : memref<3276800x128xf32, #tpu.memory_space<hbm>> -> memref<128x128xf32, #tpu.memory_space<hbm>>
      %dma_wait3A_289 = arith.constant 0 : i32
      %dma_wait3A_290 = tpu.memref_slice %arg4[%mul3A_4, %dma_wait3A_289] : memref<3276800x128xf32, #tpu.memory_space<hbm>> -> memref<128x128xf32, #tpu.memory_space<hbm>>
      tpu.wait_dma2 semaphore(%arg20 : memref<!tpu.dma_semaphore, #tpu.memory_space<semaphore_mem>>) src(%dma_wait3A_290 : memref<128x128xf32, #tpu.memory_space<hbm>>) dst(%arg10 : memref<128x128xf32, #tpu.memory_space<vmem>>)
      %mul3A_291 = arith.constant 8 : i32
      %mul3A_292 = arith.muli %add3A_205, %mul3A_291 : i32
      %add3A_293 = arith.constant 2 : i32
      %add3A_294 = arith.addi %mul3A_292, %add3A_293 : i32
      %sub3A_295 = arith.constant 2 : i32
      %sub3A_296 = arith.subi %add3A_294, %sub3A_295 : i32
      %mul3A_297 = arith.constant 128 : i32
      %mul3A_298 = arith.muli %sub3A_296, %mul3A_297 : i32
      %add3A_299 = arith.addi %mul3A_4, %mul3A_298 : i32
      %dma_start3A_300 = arith.constant 0 : i32
      %dma_start3A_301 = tpu.memref_slice %arg4[%add3A_299, %dma_start3A_300] : memref<3276800x128xf32, #tpu.memory_space<hbm>> -> memref<128x128xf32, #tpu.memory_space<hbm>>
      %dma_start3A_302 = arith.constant 0 : i32
      %dma_start3A_303 = tpu.memref_slice %arg4[%add3A_299, %dma_start3A_302] : memref<3276800x128xf32, #tpu.memory_space<hbm>> -> memref<128x128xf32, #tpu.memory_space<hbm>>
      tpu.enqueue_dma source(%arg10 : memref<128x128xf32, #tpu.memory_space<vmem>>) target(%dma_start3A_303 : memref<128x128xf32, #tpu.memory_space<hbm>>) target_semaphore(%arg26 : memref<!tpu.dma_semaphore, #tpu.memory_space<semaphore_mem>>)
      %dma_wait3A_304 = arith.constant 0 : i32
      %dma_wait3A_305 = tpu.memref_slice %arg4[%mul3A_4, %dma_wait3A_304] : memref<3276800x128xf32, #tpu.memory_space<hbm>> -> memref<128x128xf32, #tpu.memory_space<hbm>>
      %dma_wait3A_306 = arith.constant 0 : i32
      %dma_wait3A_307 = tpu.memref_slice %arg4[%mul3A_4, %dma_wait3A_306] : memref<3276800x128xf32, #tpu.memory_space<hbm>> -> memref<128x128xf32, #tpu.memory_space<hbm>>
      tpu.wait_dma2 semaphore(%arg29 : memref<!tpu.dma_semaphore, #tpu.memory_space<semaphore_mem>>) src(%arg13 : memref<128x128xf32, #tpu.memory_space<vmem>>) dst(%dma_wait3A_307 : memref<128x128xf32, #tpu.memory_space<hbm>>)
      %dma_start3A_308 = arith.constant 3 : i32
      %dma_start3A_309 = arith.constant 0 : i32
      %dma_start3A_310 = tpu.memref_slice %arg6[%dma_start3A_308, %dma_start3A_309] : memref<8x128xi32, #tpu.memory_space<vmem>> -> memref<1x128xi32, #tpu.memory_space<vmem>>
      %dma_start3A_311 = tpu.memref_squeeze %dma_start3A_310 : memref<1x128xi32, #tpu.memory_space<vmem>> -> memref<128xi32, #tpu.memory_space<vmem>>
      %dma_start3A_312 = arith.constant 0 : i32
      %dma_start3A_313 = arith.constant 0 : i32
      %dma_start3A_314 = tpu.memref_slice %arg14[%dma_start3A_312, %dma_start3A_313] : memref<100x128xf32, #tpu.memory_space<vmem_shared>> -> memref<100x128xf32, #tpu.memory_space<vmem_shared>>
      tpu.enqueue_indirect_dma source(%dma_start3A_314 : memref<100x128xf32, #tpu.memory_space<vmem_shared>>) target(%arg13 : memref<128x128xf32, #tpu.memory_space<vmem>>) offsets(%dma_start3A_311 : memref<128xi32, #tpu.memory_space<vmem>>) semaphore(%arg23 : memref<!tpu.dma_semaphore, #tpu.memory_space<semaphore_mem>>)
      %dma_wait3A_315 = arith.constant 0 : i32
      %dma_wait3A_316 = tpu.memref_slice %arg4[%mul3A_4, %dma_wait3A_315] : memref<3276800x128xf32, #tpu.memory_space<hbm>> -> memref<128x128xf32, #tpu.memory_space<hbm>>
      %dma_wait3A_317 = arith.constant 0 : i32
      %dma_wait3A_318 = tpu.memref_slice %arg4[%mul3A_4, %dma_wait3A_317] : memref<3276800x128xf32, #tpu.memory_space<hbm>> -> memref<128x128xf32, #tpu.memory_space<hbm>>
      tpu.wait_dma2 semaphore(%arg21 : memref<!tpu.dma_semaphore, #tpu.memory_space<semaphore_mem>>) src(%dma_wait3A_318 : memref<128x128xf32, #tpu.memory_space<hbm>>) dst(%arg11 : memref<128x128xf32, #tpu.memory_space<vmem>>)
      %mul3A_319 = arith.constant 8 : i32
      %mul3A_320 = arith.muli %add3A_205, %mul3A_319 : i32
      %add3A_321 = arith.constant 3 : i32
      %add3A_322 = arith.addi %mul3A_320, %add3A_321 : i32
      %sub3A_323 = arith.constant 2 : i32
      %sub3A_324 = arith.subi %add3A_322, %sub3A_323 : i32
      %mul3A_325 = arith.constant 128 : i32
      %mul3A_326 = arith.muli %sub3A_324, %mul3A_325 : i32
      %add3A_327 = arith.addi %mul3A_4, %mul3A_326 : i32
      %dma_start3A_328 = arith.constant 0 : i32
      %dma_start3A_329 = tpu.memref_slice %arg4[%add3A_327, %dma_start3A_328] : memref<3276800x128xf32, #tpu.memory_space<hbm>> -> memref<128x128xf32, #tpu.memory_space<hbm>>
      %dma_start3A_330 = arith.constant 0 : i32
      %dma_start3A_331 = tpu.memref_slice %arg4[%add3A_327, %dma_start3A_330] : memref<3276800x128xf32, #tpu.memory_space<hbm>> -> memref<128x128xf32, #tpu.memory_space<hbm>>
      tpu.enqueue_dma source(%arg11 : memref<128x128xf32, #tpu.memory_space<vmem>>) target(%dma_start3A_331 : memref<128x128xf32, #tpu.memory_space<hbm>>) target_semaphore(%arg27 : memref<!tpu.dma_semaphore, #tpu.memory_space<semaphore_mem>>)
      %dma_wait3A_332 = arith.constant 0 : i32
      %dma_wait3A_333 = tpu.memref_slice %arg4[%mul3A_4, %dma_wait3A_332] : memref<3276800x128xf32, #tpu.memory_space<hbm>> -> memref<128x128xf32, #tpu.memory_space<hbm>>
      %dma_wait3A_334 = arith.constant 0 : i32
      %dma_wait3A_335 = tpu.memref_slice %arg4[%mul3A_4, %dma_wait3A_334] : memref<3276800x128xf32, #tpu.memory_space<hbm>> -> memref<128x128xf32, #tpu.memory_space<hbm>>
      tpu.wait_dma2 semaphore(%arg24 : memref<!tpu.dma_semaphore, #tpu.memory_space<semaphore_mem>>) src(%arg8 : memref<128x128xf32, #tpu.memory_space<vmem>>) dst(%dma_wait3A_335 : memref<128x128xf32, #tpu.memory_space<hbm>>)
      %dma_start3A_336 = arith.constant 4 : i32
      %dma_start3A_337 = arith.constant 0 : i32
      %dma_start3A_338 = tpu.memref_slice %arg6[%dma_start3A_336, %dma_start3A_337] : memref<8x128xi32, #tpu.memory_space<vmem>> -> memref<1x128xi32, #tpu.memory_space<vmem>>
      %dma_start3A_339 = tpu.memref_squeeze %dma_start3A_338 : memref<1x128xi32, #tpu.memory_space<vmem>> -> memref<128xi32, #tpu.memory_space<vmem>>
      %dma_start3A_340 = arith.constant 0 : i32
      %dma_start3A_341 = arith.constant 0 : i32
      %dma_start3A_342 = tpu.memref_slice %arg14[%dma_start3A_340, %dma_start3A_341] : memref<100x128xf32, #tpu.memory_space<vmem_shared>> -> memref<100x128xf32, #tpu.memory_space<vmem_shared>>
      tpu.enqueue_indirect_dma source(%dma_start3A_342 : memref<100x128xf32, #tpu.memory_space<vmem_shared>>) target(%arg8 : memref<128x128xf32, #tpu.memory_space<vmem>>) offsets(%dma_start3A_339 : memref<128xi32, #tpu.memory_space<vmem>>) semaphore(%arg18 : memref<!tpu.dma_semaphore, #tpu.memory_space<semaphore_mem>>)
      %dma_wait3A_343 = arith.constant 0 : i32
      %dma_wait3A_344 = tpu.memref_slice %arg4[%mul3A_4, %dma_wait3A_343] : memref<3276800x128xf32, #tpu.memory_space<hbm>> -> memref<128x128xf32, #tpu.memory_space<hbm>>
      %dma_wait3A_345 = arith.constant 0 : i32
      %dma_wait3A_346 = tpu.memref_slice %arg4[%mul3A_4, %dma_wait3A_345] : memref<3276800x128xf32, #tpu.memory_space<hbm>> -> memref<128x128xf32, #tpu.memory_space<hbm>>
      tpu.wait_dma2 semaphore(%arg22 : memref<!tpu.dma_semaphore, #tpu.memory_space<semaphore_mem>>) src(%dma_wait3A_346 : memref<128x128xf32, #tpu.memory_space<hbm>>) dst(%arg12 : memref<128x128xf32, #tpu.memory_space<vmem>>)
      %mul3A_347 = arith.constant 8 : i32
      %mul3A_348 = arith.muli %add3A_205, %mul3A_347 : i32
      %add3A_349 = arith.constant 4 : i32
      %add3A_350 = arith.addi %mul3A_348, %add3A_349 : i32
      %sub3A_351 = arith.constant 2 : i32
      %sub3A_352 = arith.subi %add3A_350, %sub3A_351 : i32
      %mul3A_353 = arith.constant 128 : i32
      %mul3A_354 = arith.muli %sub3A_352, %mul3A_353 : i32
      %add3A_355 = arith.addi %mul3A_4, %mul3A_354 : i32
      %dma_start3A_356 = arith.constant 0 : i32
      %dma_start3A_357 = tpu.memref_slice %arg4[%add3A_355, %dma_start3A_356] : memref<3276800x128xf32, #tpu.memory_space<hbm>> -> memref<128x128xf32, #tpu.memory_space<hbm>>
      %dma_start3A_358 = arith.constant 0 : i32
      %dma_start3A_359 = tpu.memref_slice %arg4[%add3A_355, %dma_start3A_358] : memref<3276800x128xf32, #tpu.memory_space<hbm>> -> memref<128x128xf32, #tpu.memory_space<hbm>>
      tpu.enqueue_dma source(%arg12 : memref<128x128xf32, #tpu.memory_space<vmem>>) target(%dma_start3A_359 : memref<128x128xf32, #tpu.memory_space<hbm>>) target_semaphore(%arg28 : memref<!tpu.dma_semaphore, #tpu.memory_space<semaphore_mem>>)
      %dma_wait3A_360 = arith.constant 0 : i32
      %dma_wait3A_361 = tpu.memref_slice %arg4[%mul3A_4, %dma_wait3A_360] : memref<3276800x128xf32, #tpu.memory_space<hbm>> -> memref<128x128xf32, #tpu.memory_space<hbm>>
      %dma_wait3A_362 = arith.constant 0 : i32
      %dma_wait3A_363 = tpu.memref_slice %arg4[%mul3A_4, %dma_wait3A_362] : memref<3276800x128xf32, #tpu.memory_space<hbm>> -> memref<128x128xf32, #tpu.memory_space<hbm>>
      tpu.wait_dma2 semaphore(%arg25 : memref<!tpu.dma_semaphore, #tpu.memory_space<semaphore_mem>>) src(%arg9 : memref<128x128xf32, #tpu.memory_space<vmem>>) dst(%dma_wait3A_363 : memref<128x128xf32, #tpu.memory_space<hbm>>)
      %dma_start3A_364 = arith.constant 5 : i32
      %dma_start3A_365 = arith.constant 0 : i32
      %dma_start3A_366 = tpu.memref_slice %arg6[%dma_start3A_364, %dma_start3A_365] : memref<8x128xi32, #tpu.memory_space<vmem>> -> memref<1x128xi32, #tpu.memory_space<vmem>>
      %dma_start3A_367 = tpu.memref_squeeze %dma_start3A_366 : memref<1x128xi32, #tpu.memory_space<vmem>> -> memref<128xi32, #tpu.memory_space<vmem>>
      %dma_start3A_368 = arith.constant 0 : i32
      %dma_start3A_369 = arith.constant 0 : i32
      %dma_start3A_370 = tpu.memref_slice %arg14[%dma_start3A_368, %dma_start3A_369] : memref<100x128xf32, #tpu.memory_space<vmem_shared>> -> memref<100x128xf32, #tpu.memory_space<vmem_shared>>
      tpu.enqueue_indirect_dma source(%dma_start3A_370 : memref<100x128xf32, #tpu.memory_space<vmem_shared>>) target(%arg9 : memref<128x128xf32, #tpu.memory_space<vmem>>) offsets(%dma_start3A_367 : memref<128xi32, #tpu.memory_space<vmem>>) semaphore(%arg19 : memref<!tpu.dma_semaphore, #tpu.memory_space<semaphore_mem>>)
      %dma_wait3A_371 = arith.constant 0 : i32
      %dma_wait3A_372 = tpu.memref_slice %arg4[%mul3A_4, %dma_wait3A_371] : memref<3276800x128xf32, #tpu.memory_space<hbm>> -> memref<128x128xf32, #tpu.memory_space<hbm>>
      %dma_wait3A_373 = arith.constant 0 : i32
      %dma_wait3A_374 = tpu.memref_slice %arg4[%mul3A_4, %dma_wait3A_373] : memref<3276800x128xf32, #tpu.memory_space<hbm>> -> memref<128x128xf32, #tpu.memory_space<hbm>>
      tpu.wait_dma2 semaphore(%arg23 : memref<!tpu.dma_semaphore, #tpu.memory_space<semaphore_mem>>) src(%dma_wait3A_374 : memref<128x128xf32, #tpu.memory_space<hbm>>) dst(%arg13 : memref<128x128xf32, #tpu.memory_space<vmem>>)
      %mul3A_375 = arith.constant 8 : i32
      %mul3A_376 = arith.muli %add3A_205, %mul3A_375 : i32
      %add3A_377 = arith.constant 5 : i32
      %add3A_378 = arith.addi %mul3A_376, %add3A_377 : i32
      %sub3A_379 = arith.constant 2 : i32
      %sub3A_380 = arith.subi %add3A_378, %sub3A_379 : i32
      %mul3A_381 = arith.constant 128 : i32
      %mul3A_382 = arith.muli %sub3A_380, %mul3A_381 : i32
      %add3A_383 = arith.addi %mul3A_4, %mul3A_382 : i32
      %dma_start3A_384 = arith.constant 0 : i32
      %dma_start3A_385 = tpu.memref_slice %arg4[%add3A_383, %dma_start3A_384] : memref<3276800x128xf32, #tpu.memory_space<hbm>> -> memref<128x128xf32, #tpu.memory_space<hbm>>
      %dma_start3A_386 = arith.constant 0 : i32
      %dma_start3A_387 = tpu.memref_slice %arg4[%add3A_383, %dma_start3A_386] : memref<3276800x128xf32, #tpu.memory_space<hbm>> -> memref<128x128xf32, #tpu.memory_space<hbm>>
      tpu.enqueue_dma source(%arg13 : memref<128x128xf32, #tpu.memory_space<vmem>>) target(%dma_start3A_387 : memref<128x128xf32, #tpu.memory_space<hbm>>) target_semaphore(%arg29 : memref<!tpu.dma_semaphore, #tpu.memory_space<semaphore_mem>>)
      %dma_wait3A_388 = arith.constant 0 : i32
      %dma_wait3A_389 = tpu.memref_slice %arg4[%mul3A_4, %dma_wait3A_388] : memref<3276800x128xf32, #tpu.memory_space<hbm>> -> memref<128x128xf32, #tpu.memory_space<hbm>>
      %dma_wait3A_390 = arith.constant 0 : i32
      %dma_wait3A_391 = tpu.memref_slice %arg4[%mul3A_4, %dma_wait3A_390] : memref<3276800x128xf32, #tpu.memory_space<hbm>> -> memref<128x128xf32, #tpu.memory_space<hbm>>
      tpu.wait_dma2 semaphore(%arg26 : memref<!tpu.dma_semaphore, #tpu.memory_space<semaphore_mem>>) src(%arg10 : memref<128x128xf32, #tpu.memory_space<vmem>>) dst(%dma_wait3A_391 : memref<128x128xf32, #tpu.memory_space<hbm>>)
      %dma_start3A_392 = arith.constant 6 : i32
      %dma_start3A_393 = arith.constant 0 : i32
      %dma_start3A_394 = tpu.memref_slice %arg6[%dma_start3A_392, %dma_start3A_393] : memref<8x128xi32, #tpu.memory_space<vmem>> -> memref<1x128xi32, #tpu.memory_space<vmem>>
      %dma_start3A_395 = tpu.memref_squeeze %dma_start3A_394 : memref<1x128xi32, #tpu.memory_space<vmem>> -> memref<128xi32, #tpu.memory_space<vmem>>
      %dma_start3A_396 = arith.constant 0 : i32
      %dma_start3A_397 = arith.constant 0 : i32
      %dma_start3A_398 = tpu.memref_slice %arg14[%dma_start3A_396, %dma_start3A_397] : memref<100x128xf32, #tpu.memory_space<vmem_shared>> -> memref<100x128xf32, #tpu.memory_space<vmem_shared>>
      tpu.enqueue_indirect_dma source(%dma_start3A_398 : memref<100x128xf32, #tpu.memory_space<vmem_shared>>) target(%arg10 : memref<128x128xf32, #tpu.memory_space<vmem>>) offsets(%dma_start3A_395 : memref<128xi32, #tpu.memory_space<vmem>>) semaphore(%arg20 : memref<!tpu.dma_semaphore, #tpu.memory_space<semaphore_mem>>)
      %dma_wait3A_399 = arith.constant 0 : i32
      %dma_wait3A_400 = tpu.memref_slice %arg4[%mul3A_4, %dma_wait3A_399] : memref<3276800x128xf32, #tpu.memory_space<hbm>> -> memref<128x128xf32, #tpu.memory_space<hbm>>
      %dma_wait3A_401 = arith.constant 0 : i32
      %dma_wait3A_402 = tpu.memref_slice %arg4[%mul3A_4, %dma_wait3A_401] : memref<3276800x128xf32, #tpu.memory_space<hbm>> -> memref<128x128xf32, #tpu.memory_space<hbm>>
      tpu.wait_dma2 semaphore(%arg18 : memref<!tpu.dma_semaphore, #tpu.memory_space<semaphore_mem>>) src(%dma_wait3A_402 : memref<128x128xf32, #tpu.memory_space<hbm>>) dst(%arg8 : memref<128x128xf32, #tpu.memory_space<vmem>>)
      %mul3A_403 = arith.constant 8 : i32
      %mul3A_404 = arith.muli %add3A_205, %mul3A_403 : i32
      %add3A_405 = arith.constant 6 : i32
      %add3A_406 = arith.addi %mul3A_404, %add3A_405 : i32
      %sub3A_407 = arith.constant 2 : i32
      %sub3A_408 = arith.subi %add3A_406, %sub3A_407 : i32
      %mul3A_409 = arith.constant 128 : i32
      %mul3A_410 = arith.muli %sub3A_408, %mul3A_409 : i32
      %add3A_411 = arith.addi %mul3A_4, %mul3A_410 : i32
      %dma_start3A_412 = arith.constant 0 : i32
      %dma_start3A_413 = tpu.memref_slice %arg4[%add3A_411, %dma_start3A_412] : memref<3276800x128xf32, #tpu.memory_space<hbm>> -> memref<128x128xf32, #tpu.memory_space<hbm>>
      %dma_start3A_414 = arith.constant 0 : i32
      %dma_start3A_415 = tpu.memref_slice %arg4[%add3A_411, %dma_start3A_414] : memref<3276800x128xf32, #tpu.memory_space<hbm>> -> memref<128x128xf32, #tpu.memory_space<hbm>>
      tpu.enqueue_dma source(%arg8 : memref<128x128xf32, #tpu.memory_space<vmem>>) target(%dma_start3A_415 : memref<128x128xf32, #tpu.memory_space<hbm>>) target_semaphore(%arg24 : memref<!tpu.dma_semaphore, #tpu.memory_space<semaphore_mem>>)
      %dma_wait3A_416 = arith.constant 0 : i32
      %dma_wait3A_417 = tpu.memref_slice %arg4[%mul3A_4, %dma_wait3A_416] : memref<3276800x128xf32, #tpu.memory_space<hbm>> -> memref<128x128xf32, #tpu.memory_space<hbm>>
      %dma_wait3A_418 = arith.constant 0 : i32
      %dma_wait3A_419 = tpu.memref_slice %arg4[%mul3A_4, %dma_wait3A_418] : memref<3276800x128xf32, #tpu.memory_space<hbm>> -> memref<128x128xf32, #tpu.memory_space<hbm>>
      tpu.wait_dma2 semaphore(%arg27 : memref<!tpu.dma_semaphore, #tpu.memory_space<semaphore_mem>>) src(%arg11 : memref<128x128xf32, #tpu.memory_space<vmem>>) dst(%dma_wait3A_419 : memref<128x128xf32, #tpu.memory_space<hbm>>)
      %dma_start3A_420 = arith.constant 7 : i32
      %dma_start3A_421 = arith.constant 0 : i32
      %dma_start3A_422 = tpu.memref_slice %arg6[%dma_start3A_420, %dma_start3A_421] : memref<8x128xi32, #tpu.memory_space<vmem>> -> memref<1x128xi32, #tpu.memory_space<vmem>>
      %dma_start3A_423 = tpu.memref_squeeze %dma_start3A_422 : memref<1x128xi32, #tpu.memory_space<vmem>> -> memref<128xi32, #tpu.memory_space<vmem>>
      %dma_start3A_424 = arith.constant 0 : i32
      %dma_start3A_425 = arith.constant 0 : i32
      %dma_start3A_426 = tpu.memref_slice %arg14[%dma_start3A_424, %dma_start3A_425] : memref<100x128xf32, #tpu.memory_space<vmem_shared>> -> memref<100x128xf32, #tpu.memory_space<vmem_shared>>
      tpu.enqueue_indirect_dma source(%dma_start3A_426 : memref<100x128xf32, #tpu.memory_space<vmem_shared>>) target(%arg11 : memref<128x128xf32, #tpu.memory_space<vmem>>) offsets(%dma_start3A_423 : memref<128xi32, #tpu.memory_space<vmem>>) semaphore(%arg21 : memref<!tpu.dma_semaphore, #tpu.memory_space<semaphore_mem>>)
      %dma_wait3A_427 = arith.constant 0 : i32
      %dma_wait3A_428 = tpu.memref_slice %arg4[%mul3A_4, %dma_wait3A_427] : memref<3276800x128xf32, #tpu.memory_space<hbm>> -> memref<128x128xf32, #tpu.memory_space<hbm>>
      %dma_wait3A_429 = arith.constant 0 : i32
      %dma_wait3A_430 = tpu.memref_slice %arg4[%mul3A_4, %dma_wait3A_429] : memref<3276800x128xf32, #tpu.memory_space<hbm>> -> memref<128x128xf32, #tpu.memory_space<hbm>>
      tpu.wait_dma2 semaphore(%arg19 : memref<!tpu.dma_semaphore, #tpu.memory_space<semaphore_mem>>) src(%dma_wait3A_430 : memref<128x128xf32, #tpu.memory_space<hbm>>) dst(%arg9 : memref<128x128xf32, #tpu.memory_space<vmem>>)
      %mul3A_431 = arith.constant 8 : i32
      %mul3A_432 = arith.muli %add3A_205, %mul3A_431 : i32
      %add3A_433 = arith.constant 7 : i32
      %add3A_434 = arith.addi %mul3A_432, %add3A_433 : i32
      %sub3A_435 = arith.constant 2 : i32
      %sub3A_436 = arith.subi %add3A_434, %sub3A_435 : i32
      %mul3A_437 = arith.constant 128 : i32
      %mul3A_438 = arith.muli %sub3A_436, %mul3A_437 : i32
      %add3A_439 = arith.addi %mul3A_4, %mul3A_438 : i32
      %dma_start3A_440 = arith.constant 0 : i32
      %dma_start3A_441 = tpu.memref_slice %arg4[%add3A_439, %dma_start3A_440] : memref<3276800x128xf32, #tpu.memory_space<hbm>> -> memref<128x128xf32, #tpu.memory_space<hbm>>
      %dma_start3A_442 = arith.constant 0 : i32
      %dma_start3A_443 = tpu.memref_slice %arg4[%add3A_439, %dma_start3A_442] : memref<3276800x128xf32, #tpu.memory_space<hbm>> -> memref<128x128xf32, #tpu.memory_space<hbm>>
      tpu.enqueue_dma source(%arg9 : memref<128x128xf32, #tpu.memory_space<vmem>>) target(%dma_start3A_443 : memref<128x128xf32, #tpu.memory_space<hbm>>) target_semaphore(%arg25 : memref<!tpu.dma_semaphore, #tpu.memory_space<semaphore_mem>>)
      %add3A_444 = arith.constant 1 : i32
      %add3A_445 = arith.addi %add3A_205, %add3A_444 : i32
      %dma_wait3A_446 = arith.constant 0 : i32
      %dma_wait3A_447 = tpu.memref_slice %arg3[%mul3A_2, %dma_wait3A_446] : memref<25600x128xi32, #tpu.memory_space<hbm>> -> memref<8x128xi32, #tpu.memory_space<hbm>>
      %dma_wait3A_448 = arith.constant 0 : i32
      %dma_wait3A_449 = tpu.memref_slice %arg3[%mul3A_2, %dma_wait3A_448] : memref<25600x128xi32, #tpu.memory_space<hbm>> -> memref<8x128xi32, #tpu.memory_space<hbm>>
      tpu.wait_dma2 semaphore(%arg17 : memref<!tpu.dma_semaphore, #tpu.memory_space<semaphore_mem>>) src(%dma_wait3A_449 : memref<8x128xi32, #tpu.memory_space<hbm>>) dst(%arg7 : memref<8x128xi32, #tpu.memory_space<vmem>>)
      %add3A_450 = arith.constant 1 : i32
      %add3A_451 = arith.addi %add3A_445, %add3A_450 : i32
      %min3A_452 = arith.constant 99 : i32
      %min3A_453 = arith.minsi %add3A_451, %min3A_452 : i32
      %mul3A_454 = arith.constant 8 : i32
      %mul3A_455 = arith.muli %min3A_453, %mul3A_454 : i32
      %add3A_456 = arith.addi %mul3A_2, %mul3A_455 : i32
      %dma_start3A_457 = arith.constant 0 : i32
      %dma_start3A_458 = tpu.memref_slice %arg3[%add3A_456, %dma_start3A_457] : memref<25600x128xi32, #tpu.memory_space<hbm>> -> memref<8x128xi32, #tpu.memory_space<hbm>>
      %dma_start3A_459 = arith.constant 0 : i32
      %dma_start3A_460 = tpu.memref_slice %arg3[%add3A_456, %dma_start3A_459] : memref<25600x128xi32, #tpu.memory_space<hbm>> -> memref<8x128xi32, #tpu.memory_space<hbm>>
      tpu.enqueue_dma source(%dma_start3A_460 : memref<8x128xi32, #tpu.memory_space<hbm>>) target(%arg5 : memref<8x128xi32, #tpu.memory_space<vmem>>) target_semaphore(%arg15 : memref<!tpu.dma_semaphore, #tpu.memory_space<semaphore_mem>>)
      %dma_wait3A_461 = arith.constant 0 : i32
      %dma_wait3A_462 = tpu.memref_slice %arg4[%mul3A_4, %dma_wait3A_461] : memref<3276800x128xf32, #tpu.memory_space<hbm>> -> memref<128x128xf32, #tpu.memory_space<hbm>>
      %dma_wait3A_463 = arith.constant 0 : i32
      %dma_wait3A_464 = tpu.memref_slice %arg4[%mul3A_4, %dma_wait3A_463] : memref<3276800x128xf32, #tpu.memory_space<hbm>> -> memref<128x128xf32, #tpu.memory_space<hbm>>
      tpu.wait_dma2 semaphore(%arg28 : memref<!tpu.dma_semaphore, #tpu.memory_space<semaphore_mem>>) src(%arg12 : memref<128x128xf32, #tpu.memory_space<vmem>>) dst(%dma_wait3A_464 : memref<128x128xf32, #tpu.memory_space<hbm>>)
      %dma_start3A_465 = arith.constant 0 : i32
      %dma_start3A_466 = arith.constant 0 : i32
      %dma_start3A_467 = tpu.memref_slice %arg7[%dma_start3A_465, %dma_start3A_466] : memref<8x128xi32, #tpu.memory_space<vmem>> -> memref<1x128xi32, #tpu.memory_space<vmem>>
      %dma_start3A_468 = tpu.memref_squeeze %dma_start3A_467 : memref<1x128xi32, #tpu.memory_space<vmem>> -> memref<128xi32, #tpu.memory_space<vmem>>
      %dma_start3A_469 = arith.constant 0 : i32
      %dma_start3A_470 = arith.constant 0 : i32
      %dma_start3A_471 = tpu.memref_slice %arg14[%dma_start3A_469, %dma_start3A_470] : memref<100x128xf32, #tpu.memory_space<vmem_shared>> -> memref<100x128xf32, #tpu.memory_space<vmem_shared>>
      tpu.enqueue_indirect_dma source(%dma_start3A_471 : memref<100x128xf32, #tpu.memory_space<vmem_shared>>) target(%arg12 : memref<128x128xf32, #tpu.memory_space<vmem>>) offsets(%dma_start3A_468 : memref<128xi32, #tpu.memory_space<vmem>>) semaphore(%arg22 : memref<!tpu.dma_semaphore, #tpu.memory_space<semaphore_mem>>)
      %dma_wait3A_472 = arith.constant 0 : i32
      %dma_wait3A_473 = tpu.memref_slice %arg4[%mul3A_4, %dma_wait3A_472] : memref<3276800x128xf32, #tpu.memory_space<hbm>> -> memref<128x128xf32, #tpu.memory_space<hbm>>
      %dma_wait3A_474 = arith.constant 0 : i32
      %dma_wait3A_475 = tpu.memref_slice %arg4[%mul3A_4, %dma_wait3A_474] : memref<3276800x128xf32, #tpu.memory_space<hbm>> -> memref<128x128xf32, #tpu.memory_space<hbm>>
      tpu.wait_dma2 semaphore(%arg20 : memref<!tpu.dma_semaphore, #tpu.memory_space<semaphore_mem>>) src(%dma_wait3A_475 : memref<128x128xf32, #tpu.memory_space<hbm>>) dst(%arg10 : memref<128x128xf32, #tpu.memory_space<vmem>>)
      %mul3A_476 = arith.constant 8 : i32
      %mul3A_477 = arith.muli %add3A_445, %mul3A_476 : i32
      %add3A_478 = arith.constant 0 : i32
      %add3A_479 = arith.addi %mul3A_477, %add3A_478 : i32
      %sub3A_480 = arith.constant 2 : i32
      %sub3A_481 = arith.subi %add3A_479, %sub3A_480 : i32
      %mul3A_482 = arith.constant 128 : i32
      %mul3A_483 = arith.muli %sub3A_481, %mul3A_482 : i32
      %add3A_484 = arith.addi %mul3A_4, %mul3A_483 : i32
      %dma_start3A_485 = arith.constant 0 : i32
      %dma_start3A_486 = tpu.memref_slice %arg4[%add3A_484, %dma_start3A_485] : memref<3276800x128xf32, #tpu.memory_space<hbm>> -> memref<128x128xf32, #tpu.memory_space<hbm>>
      %dma_start3A_487 = arith.constant 0 : i32
      %dma_start3A_488 = tpu.memref_slice %arg4[%add3A_484, %dma_start3A_487] : memref<3276800x128xf32, #tpu.memory_space<hbm>> -> memref<128x128xf32, #tpu.memory_space<hbm>>
      tpu.enqueue_dma source(%arg10 : memref<128x128xf32, #tpu.memory_space<vmem>>) target(%dma_start3A_488 : memref<128x128xf32, #tpu.memory_space<hbm>>) target_semaphore(%arg26 : memref<!tpu.dma_semaphore, #tpu.memory_space<semaphore_mem>>)
      %dma_wait3A_489 = arith.constant 0 : i32
      %dma_wait3A_490 = tpu.memref_slice %arg4[%mul3A_4, %dma_wait3A_489] : memref<3276800x128xf32, #tpu.memory_space<hbm>> -> memref<128x128xf32, #tpu.memory_space<hbm>>
      %dma_wait3A_491 = arith.constant 0 : i32
      %dma_wait3A_492 = tpu.memref_slice %arg4[%mul3A_4, %dma_wait3A_491] : memref<3276800x128xf32, #tpu.memory_space<hbm>> -> memref<128x128xf32, #tpu.memory_space<hbm>>
      tpu.wait_dma2 semaphore(%arg29 : memref<!tpu.dma_semaphore, #tpu.memory_space<semaphore_mem>>) src(%arg13 : memref<128x128xf32, #tpu.memory_space<vmem>>) dst(%dma_wait3A_492 : memref<128x128xf32, #tpu.memory_space<hbm>>)
      %dma_start3A_493 = arith.constant 1 : i32
      %dma_start3A_494 = arith.constant 0 : i32
      %dma_start3A_495 = tpu.memref_slice %arg7[%dma_start3A_493, %dma_start3A_494] : memref<8x128xi32, #tpu.memory_space<vmem>> -> memref<1x128xi32, #tpu.memory_space<vmem>>
      %dma_start3A_496 = tpu.memref_squeeze %dma_start3A_495 : memref<1x128xi32, #tpu.memory_space<vmem>> -> memref<128xi32, #tpu.memory_space<vmem>>
      %dma_start3A_497 = arith.constant 0 : i32
      %dma_start3A_498 = arith.constant 0 : i32
      %dma_start3A_499 = tpu.memref_slice %arg14[%dma_start3A_497, %dma_start3A_498] : memref<100x128xf32, #tpu.memory_space<vmem_shared>> -> memref<100x128xf32, #tpu.memory_space<vmem_shared>>
      tpu.enqueue_indirect_dma source(%dma_start3A_499 : memref<100x128xf32, #tpu.memory_space<vmem_shared>>) target(%arg13 : memref<128x128xf32, #tpu.memory_space<vmem>>) offsets(%dma_start3A_496 : memref<128xi32, #tpu.memory_space<vmem>>) semaphore(%arg23 : memref<!tpu.dma_semaphore, #tpu.memory_space<semaphore_mem>>)
      %dma_wait3A_500 = arith.constant 0 : i32
      %dma_wait3A_501 = tpu.memref_slice %arg4[%mul3A_4, %dma_wait3A_500] : memref<3276800x128xf32, #tpu.memory_space<hbm>> -> memref<128x128xf32, #tpu.memory_space<hbm>>
      %dma_wait3A_502 = arith.constant 0 : i32
      %dma_wait3A_503 = tpu.memref_slice %arg4[%mul3A_4, %dma_wait3A_502] : memref<3276800x128xf32, #tpu.memory_space<hbm>> -> memref<128x128xf32, #tpu.memory_space<hbm>>
      tpu.wait_dma2 semaphore(%arg21 : memref<!tpu.dma_semaphore, #tpu.memory_space<semaphore_mem>>) src(%dma_wait3A_503 : memref<128x128xf32, #tpu.memory_space<hbm>>) dst(%arg11 : memref<128x128xf32, #tpu.memory_space<vmem>>)
      %mul3A_504 = arith.constant 8 : i32
      %mul3A_505 = arith.muli %add3A_445, %mul3A_504 : i32
      %add3A_506 = arith.constant 1 : i32
      %add3A_507 = arith.addi %mul3A_505, %add3A_506 : i32
      %sub3A_508 = arith.constant 2 : i32
      %sub3A_509 = arith.subi %add3A_507, %sub3A_508 : i32
      %mul3A_510 = arith.constant 128 : i32
      %mul3A_511 = arith.muli %sub3A_509, %mul3A_510 : i32
      %add3A_512 = arith.addi %mul3A_4, %mul3A_511 : i32
      %dma_start3A_513 = arith.constant 0 : i32
      %dma_start3A_514 = tpu.memref_slice %arg4[%add3A_512, %dma_start3A_513] : memref<3276800x128xf32, #tpu.memory_space<hbm>> -> memref<128x128xf32, #tpu.memory_space<hbm>>
      %dma_start3A_515 = arith.constant 0 : i32
      %dma_start3A_516 = tpu.memref_slice %arg4[%add3A_512, %dma_start3A_515] : memref<3276800x128xf32, #tpu.memory_space<hbm>> -> memref<128x128xf32, #tpu.memory_space<hbm>>
      tpu.enqueue_dma source(%arg11 : memref<128x128xf32, #tpu.memory_space<vmem>>) target(%dma_start3A_516 : memref<128x128xf32, #tpu.memory_space<hbm>>) target_semaphore(%arg27 : memref<!tpu.dma_semaphore, #tpu.memory_space<semaphore_mem>>)
      %dma_wait3A_517 = arith.constant 0 : i32
      %dma_wait3A_518 = tpu.memref_slice %arg4[%mul3A_4, %dma_wait3A_517] : memref<3276800x128xf32, #tpu.memory_space<hbm>> -> memref<128x128xf32, #tpu.memory_space<hbm>>
      %dma_wait3A_519 = arith.constant 0 : i32
      %dma_wait3A_520 = tpu.memref_slice %arg4[%mul3A_4, %dma_wait3A_519] : memref<3276800x128xf32, #tpu.memory_space<hbm>> -> memref<128x128xf32, #tpu.memory_space<hbm>>
      tpu.wait_dma2 semaphore(%arg24 : memref<!tpu.dma_semaphore, #tpu.memory_space<semaphore_mem>>) src(%arg8 : memref<128x128xf32, #tpu.memory_space<vmem>>) dst(%dma_wait3A_520 : memref<128x128xf32, #tpu.memory_space<hbm>>)
      %dma_start3A_521 = arith.constant 2 : i32
      %dma_start3A_522 = arith.constant 0 : i32
      %dma_start3A_523 = tpu.memref_slice %arg7[%dma_start3A_521, %dma_start3A_522] : memref<8x128xi32, #tpu.memory_space<vmem>> -> memref<1x128xi32, #tpu.memory_space<vmem>>
      %dma_start3A_524 = tpu.memref_squeeze %dma_start3A_523 : memref<1x128xi32, #tpu.memory_space<vmem>> -> memref<128xi32, #tpu.memory_space<vmem>>
      %dma_start3A_525 = arith.constant 0 : i32
      %dma_start3A_526 = arith.constant 0 : i32
      %dma_start3A_527 = tpu.memref_slice %arg14[%dma_start3A_525, %dma_start3A_526] : memref<100x128xf32, #tpu.memory_space<vmem_shared>> -> memref<100x128xf32, #tpu.memory_space<vmem_shared>>
      tpu.enqueue_indirect_dma source(%dma_start3A_527 : memref<100x128xf32, #tpu.memory_space<vmem_shared>>) target(%arg8 : memref<128x128xf32, #tpu.memory_space<vmem>>) offsets(%dma_start3A_524 : memref<128xi32, #tpu.memory_space<vmem>>) semaphore(%arg18 : memref<!tpu.dma_semaphore, #tpu.memory_space<semaphore_mem>>)
      %dma_wait3A_528 = arith.constant 0 : i32
      %dma_wait3A_529 = tpu.memref_slice %arg4[%mul3A_4, %dma_wait3A_528] : memref<3276800x128xf32, #tpu.memory_space<hbm>> -> memref<128x128xf32, #tpu.memory_space<hbm>>
      %dma_wait3A_530 = arith.constant 0 : i32
      %dma_wait3A_531 = tpu.memref_slice %arg4[%mul3A_4, %dma_wait3A_530] : memref<3276800x128xf32, #tpu.memory_space<hbm>> -> memref<128x128xf32, #tpu.memory_space<hbm>>
      tpu.wait_dma2 semaphore(%arg22 : memref<!tpu.dma_semaphore, #tpu.memory_space<semaphore_mem>>) src(%dma_wait3A_531 : memref<128x128xf32, #tpu.memory_space<hbm>>) dst(%arg12 : memref<128x128xf32, #tpu.memory_space<vmem>>)
      %mul3A_532 = arith.constant 8 : i32
      %mul3A_533 = arith.muli %add3A_445, %mul3A_532 : i32
      %add3A_534 = arith.constant 2 : i32
      %add3A_535 = arith.addi %mul3A_533, %add3A_534 : i32
      %sub3A_536 = arith.constant 2 : i32
      %sub3A_537 = arith.subi %add3A_535, %sub3A_536 : i32
      %mul3A_538 = arith.constant 128 : i32
      %mul3A_539 = arith.muli %sub3A_537, %mul3A_538 : i32
      %add3A_540 = arith.addi %mul3A_4, %mul3A_539 : i32
      %dma_start3A_541 = arith.constant 0 : i32
      %dma_start3A_542 = tpu.memref_slice %arg4[%add3A_540, %dma_start3A_541] : memref<3276800x128xf32, #tpu.memory_space<hbm>> -> memref<128x128xf32, #tpu.memory_space<hbm>>
      %dma_start3A_543 = arith.constant 0 : i32
      %dma_start3A_544 = tpu.memref_slice %arg4[%add3A_540, %dma_start3A_543] : memref<3276800x128xf32, #tpu.memory_space<hbm>> -> memref<128x128xf32, #tpu.memory_space<hbm>>
      tpu.enqueue_dma source(%arg12 : memref<128x128xf32, #tpu.memory_space<vmem>>) target(%dma_start3A_544 : memref<128x128xf32, #tpu.memory_space<hbm>>) target_semaphore(%arg28 : memref<!tpu.dma_semaphore, #tpu.memory_space<semaphore_mem>>)
      %dma_wait3A_545 = arith.constant 0 : i32
      %dma_wait3A_546 = tpu.memref_slice %arg4[%mul3A_4, %dma_wait3A_545] : memref<3276800x128xf32, #tpu.memory_space<hbm>> -> memref<128x128xf32, #tpu.memory_space<hbm>>
      %dma_wait3A_547 = arith.constant 0 : i32
      %dma_wait3A_548 = tpu.memref_slice %arg4[%mul3A_4, %dma_wait3A_547] : memref<3276800x128xf32, #tpu.memory_space<hbm>> -> memref<128x128xf32, #tpu.memory_space<hbm>>
      tpu.wait_dma2 semaphore(%arg25 : memref<!tpu.dma_semaphore, #tpu.memory_space<semaphore_mem>>) src(%arg9 : memref<128x128xf32, #tpu.memory_space<vmem>>) dst(%dma_wait3A_548 : memref<128x128xf32, #tpu.memory_space<hbm>>)
      %dma_start3A_549 = arith.constant 3 : i32
      %dma_start3A_550 = arith.constant 0 : i32
      %dma_start3A_551 = tpu.memref_slice %arg7[%dma_start3A_549, %dma_start3A_550] : memref<8x128xi32, #tpu.memory_space<vmem>> -> memref<1x128xi32, #tpu.memory_space<vmem>>
      %dma_start3A_552 = tpu.memref_squeeze %dma_start3A_551 : memref<1x128xi32, #tpu.memory_space<vmem>> -> memref<128xi32, #tpu.memory_space<vmem>>
      %dma_start3A_553 = arith.constant 0 : i32
      %dma_start3A_554 = arith.constant 0 : i32
      %dma_start3A_555 = tpu.memref_slice %arg14[%dma_start3A_553, %dma_start3A_554] : memref<100x128xf32, #tpu.memory_space<vmem_shared>> -> memref<100x128xf32, #tpu.memory_space<vmem_shared>>
      tpu.enqueue_indirect_dma source(%dma_start3A_555 : memref<100x128xf32, #tpu.memory_space<vmem_shared>>) target(%arg9 : memref<128x128xf32, #tpu.memory_space<vmem>>) offsets(%dma_start3A_552 : memref<128xi32, #tpu.memory_space<vmem>>) semaphore(%arg19 : memref<!tpu.dma_semaphore, #tpu.memory_space<semaphore_mem>>)
      %dma_wait3A_556 = arith.constant 0 : i32
      %dma_wait3A_557 = tpu.memref_slice %arg4[%mul3A_4, %dma_wait3A_556] : memref<3276800x128xf32, #tpu.memory_space<hbm>> -> memref<128x128xf32, #tpu.memory_space<hbm>>
      %dma_wait3A_558 = arith.constant 0 : i32
      %dma_wait3A_559 = tpu.memref_slice %arg4[%mul3A_4, %dma_wait3A_558] : memref<3276800x128xf32, #tpu.memory_space<hbm>> -> memref<128x128xf32, #tpu.memory_space<hbm>>
      tpu.wait_dma2 semaphore(%arg23 : memref<!tpu.dma_semaphore, #tpu.memory_space<semaphore_mem>>) src(%dma_wait3A_559 : memref<128x128xf32, #tpu.memory_space<hbm>>) dst(%arg13 : memref<128x128xf32, #tpu.memory_space<vmem>>)
      %mul3A_560 = arith.constant 8 : i32
      %mul3A_561 = arith.muli %add3A_445, %mul3A_560 : i32
      %add3A_562 = arith.constant 3 : i32
      %add3A_563 = arith.addi %mul3A_561, %add3A_562 : i32
      %sub3A_564 = arith.constant 2 : i32
      %sub3A_565 = arith.subi %add3A_563, %sub3A_564 : i32
      %mul3A_566 = arith.constant 128 : i32
      %mul3A_567 = arith.muli %sub3A_565, %mul3A_566 : i32
      %add3A_568 = arith.addi %mul3A_4, %mul3A_567 : i32
      %dma_start3A_569 = arith.constant 0 : i32
      %dma_start3A_570 = tpu.memref_slice %arg4[%add3A_568, %dma_start3A_569] : memref<3276800x128xf32, #tpu.memory_space<hbm>> -> memref<128x128xf32, #tpu.memory_space<hbm>>
      %dma_start3A_571 = arith.constant 0 : i32
      %dma_start3A_572 = tpu.memref_slice %arg4[%add3A_568, %dma_start3A_571] : memref<3276800x128xf32, #tpu.memory_space<hbm>> -> memref<128x128xf32, #tpu.memory_space<hbm>>
      tpu.enqueue_dma source(%arg13 : memref<128x128xf32, #tpu.memory_space<vmem>>) target(%dma_start3A_572 : memref<128x128xf32, #tpu.memory_space<hbm>>) target_semaphore(%arg29 : memref<!tpu.dma_semaphore, #tpu.memory_space<semaphore_mem>>)
      %dma_wait3A_573 = arith.constant 0 : i32
      %dma_wait3A_574 = tpu.memref_slice %arg4[%mul3A_4, %dma_wait3A_573] : memref<3276800x128xf32, #tpu.memory_space<hbm>> -> memref<128x128xf32, #tpu.memory_space<hbm>>
      %dma_wait3A_575 = arith.constant 0 : i32
      %dma_wait3A_576 = tpu.memref_slice %arg4[%mul3A_4, %dma_wait3A_575] : memref<3276800x128xf32, #tpu.memory_space<hbm>> -> memref<128x128xf32, #tpu.memory_space<hbm>>
      tpu.wait_dma2 semaphore(%arg26 : memref<!tpu.dma_semaphore, #tpu.memory_space<semaphore_mem>>) src(%arg10 : memref<128x128xf32, #tpu.memory_space<vmem>>) dst(%dma_wait3A_576 : memref<128x128xf32, #tpu.memory_space<hbm>>)
      %dma_start3A_577 = arith.constant 4 : i32
      %dma_start3A_578 = arith.constant 0 : i32
      %dma_start3A_579 = tpu.memref_slice %arg7[%dma_start3A_577, %dma_start3A_578] : memref<8x128xi32, #tpu.memory_space<vmem>> -> memref<1x128xi32, #tpu.memory_space<vmem>>
      %dma_start3A_580 = tpu.memref_squeeze %dma_start3A_579 : memref<1x128xi32, #tpu.memory_space<vmem>> -> memref<128xi32, #tpu.memory_space<vmem>>
      %dma_start3A_581 = arith.constant 0 : i32
      %dma_start3A_582 = arith.constant 0 : i32
      %dma_start3A_583 = tpu.memref_slice %arg14[%dma_start3A_581, %dma_start3A_582] : memref<100x128xf32, #tpu.memory_space<vmem_shared>> -> memref<100x128xf32, #tpu.memory_space<vmem_shared>>
      tpu.enqueue_indirect_dma source(%dma_start3A_583 : memref<100x128xf32, #tpu.memory_space<vmem_shared>>) target(%arg10 : memref<128x128xf32, #tpu.memory_space<vmem>>) offsets(%dma_start3A_580 : memref<128xi32, #tpu.memory_space<vmem>>) semaphore(%arg20 : memref<!tpu.dma_semaphore, #tpu.memory_space<semaphore_mem>>)
      %dma_wait3A_584 = arith.constant 0 : i32
      %dma_wait3A_585 = tpu.memref_slice %arg4[%mul3A_4, %dma_wait3A_584] : memref<3276800x128xf32, #tpu.memory_space<hbm>> -> memref<128x128xf32, #tpu.memory_space<hbm>>
      %dma_wait3A_586 = arith.constant 0 : i32
      %dma_wait3A_587 = tpu.memref_slice %arg4[%mul3A_4, %dma_wait3A_586] : memref<3276800x128xf32, #tpu.memory_space<hbm>> -> memref<128x128xf32, #tpu.memory_space<hbm>>
      tpu.wait_dma2 semaphore(%arg18 : memref<!tpu.dma_semaphore, #tpu.memory_space<semaphore_mem>>) src(%dma_wait3A_587 : memref<128x128xf32, #tpu.memory_space<hbm>>) dst(%arg8 : memref<128x128xf32, #tpu.memory_space<vmem>>)
      %mul3A_588 = arith.constant 8 : i32
      %mul3A_589 = arith.muli %add3A_445, %mul3A_588 : i32
      %add3A_590 = arith.constant 4 : i32
      %add3A_591 = arith.addi %mul3A_589, %add3A_590 : i32
      %sub3A_592 = arith.constant 2 : i32
      %sub3A_593 = arith.subi %add3A_591, %sub3A_592 : i32
      %mul3A_594 = arith.constant 128 : i32
      %mul3A_595 = arith.muli %sub3A_593, %mul3A_594 : i32
      %add3A_596 = arith.addi %mul3A_4, %mul3A_595 : i32
      %dma_start3A_597 = arith.constant 0 : i32
      %dma_start3A_598 = tpu.memref_slice %arg4[%add3A_596, %dma_start3A_597] : memref<3276800x128xf32, #tpu.memory_space<hbm>> -> memref<128x128xf32, #tpu.memory_space<hbm>>
      %dma_start3A_599 = arith.constant 0 : i32
      %dma_start3A_600 = tpu.memref_slice %arg4[%add3A_596, %dma_start3A_599] : memref<3276800x128xf32, #tpu.memory_space<hbm>> -> memref<128x128xf32, #tpu.memory_space<hbm>>
      tpu.enqueue_dma source(%arg8 : memref<128x128xf32, #tpu.memory_space<vmem>>) target(%dma_start3A_600 : memref<128x128xf32, #tpu.memory_space<hbm>>) target_semaphore(%arg24 : memref<!tpu.dma_semaphore, #tpu.memory_space<semaphore_mem>>)
      %dma_wait3A_601 = arith.constant 0 : i32
      %dma_wait3A_602 = tpu.memref_slice %arg4[%mul3A_4, %dma_wait3A_601] : memref<3276800x128xf32, #tpu.memory_space<hbm>> -> memref<128x128xf32, #tpu.memory_space<hbm>>
      %dma_wait3A_603 = arith.constant 0 : i32
      %dma_wait3A_604 = tpu.memref_slice %arg4[%mul3A_4, %dma_wait3A_603] : memref<3276800x128xf32, #tpu.memory_space<hbm>> -> memref<128x128xf32, #tpu.memory_space<hbm>>
      tpu.wait_dma2 semaphore(%arg27 : memref<!tpu.dma_semaphore, #tpu.memory_space<semaphore_mem>>) src(%arg11 : memref<128x128xf32, #tpu.memory_space<vmem>>) dst(%dma_wait3A_604 : memref<128x128xf32, #tpu.memory_space<hbm>>)
      %dma_start3A_605 = arith.constant 5 : i32
      %dma_start3A_606 = arith.constant 0 : i32
      %dma_start3A_607 = tpu.memref_slice %arg7[%dma_start3A_605, %dma_start3A_606] : memref<8x128xi32, #tpu.memory_space<vmem>> -> memref<1x128xi32, #tpu.memory_space<vmem>>
      %dma_start3A_608 = tpu.memref_squeeze %dma_start3A_607 : memref<1x128xi32, #tpu.memory_space<vmem>> -> memref<128xi32, #tpu.memory_space<vmem>>
      %dma_start3A_609 = arith.constant 0 : i32
      %dma_start3A_610 = arith.constant 0 : i32
      %dma_start3A_611 = tpu.memref_slice %arg14[%dma_start3A_609, %dma_start3A_610] : memref<100x128xf32, #tpu.memory_space<vmem_shared>> -> memref<100x128xf32, #tpu.memory_space<vmem_shared>>
      tpu.enqueue_indirect_dma source(%dma_start3A_611 : memref<100x128xf32, #tpu.memory_space<vmem_shared>>) target(%arg11 : memref<128x128xf32, #tpu.memory_space<vmem>>) offsets(%dma_start3A_608 : memref<128xi32, #tpu.memory_space<vmem>>) semaphore(%arg21 : memref<!tpu.dma_semaphore, #tpu.memory_space<semaphore_mem>>)
      %dma_wait3A_612 = arith.constant 0 : i32
      %dma_wait3A_613 = tpu.memref_slice %arg4[%mul3A_4, %dma_wait3A_612] : memref<3276800x128xf32, #tpu.memory_space<hbm>> -> memref<128x128xf32, #tpu.memory_space<hbm>>
      %dma_wait3A_614 = arith.constant 0 : i32
      %dma_wait3A_615 = tpu.memref_slice %arg4[%mul3A_4, %dma_wait3A_614] : memref<3276800x128xf32, #tpu.memory_space<hbm>> -> memref<128x128xf32, #tpu.memory_space<hbm>>
      tpu.wait_dma2 semaphore(%arg19 : memref<!tpu.dma_semaphore, #tpu.memory_space<semaphore_mem>>) src(%dma_wait3A_615 : memref<128x128xf32, #tpu.memory_space<hbm>>) dst(%arg9 : memref<128x128xf32, #tpu.memory_space<vmem>>)
      %mul3A_616 = arith.constant 8 : i32
      %mul3A_617 = arith.muli %add3A_445, %mul3A_616 : i32
      %add3A_618 = arith.constant 5 : i32
      %add3A_619 = arith.addi %mul3A_617, %add3A_618 : i32
      %sub3A_620 = arith.constant 2 : i32
      %sub3A_621 = arith.subi %add3A_619, %sub3A_620 : i32
      %mul3A_622 = arith.constant 128 : i32
      %mul3A_623 = arith.muli %sub3A_621, %mul3A_622 : i32
      %add3A_624 = arith.addi %mul3A_4, %mul3A_623 : i32
      %dma_start3A_625 = arith.constant 0 : i32
      %dma_start3A_626 = tpu.memref_slice %arg4[%add3A_624, %dma_start3A_625] : memref<3276800x128xf32, #tpu.memory_space<hbm>> -> memref<128x128xf32, #tpu.memory_space<hbm>>
      %dma_start3A_627 = arith.constant 0 : i32
      %dma_start3A_628 = tpu.memref_slice %arg4[%add3A_624, %dma_start3A_627] : memref<3276800x128xf32, #tpu.memory_space<hbm>> -> memref<128x128xf32, #tpu.memory_space<hbm>>
      tpu.enqueue_dma source(%arg9 : memref<128x128xf32, #tpu.memory_space<vmem>>) target(%dma_start3A_628 : memref<128x128xf32, #tpu.memory_space<hbm>>) target_semaphore(%arg25 : memref<!tpu.dma_semaphore, #tpu.memory_space<semaphore_mem>>)
      %dma_wait3A_629 = arith.constant 0 : i32
      %dma_wait3A_630 = tpu.memref_slice %arg4[%mul3A_4, %dma_wait3A_629] : memref<3276800x128xf32, #tpu.memory_space<hbm>> -> memref<128x128xf32, #tpu.memory_space<hbm>>
      %dma_wait3A_631 = arith.constant 0 : i32
      %dma_wait3A_632 = tpu.memref_slice %arg4[%mul3A_4, %dma_wait3A_631] : memref<3276800x128xf32, #tpu.memory_space<hbm>> -> memref<128x128xf32, #tpu.memory_space<hbm>>
      tpu.wait_dma2 semaphore(%arg28 : memref<!tpu.dma_semaphore, #tpu.memory_space<semaphore_mem>>) src(%arg12 : memref<128x128xf32, #tpu.memory_space<vmem>>) dst(%dma_wait3A_632 : memref<128x128xf32, #tpu.memory_space<hbm>>)
      %dma_start3A_633 = arith.constant 6 : i32
      %dma_start3A_634 = arith.constant 0 : i32
      %dma_start3A_635 = tpu.memref_slice %arg7[%dma_start3A_633, %dma_start3A_634] : memref<8x128xi32, #tpu.memory_space<vmem>> -> memref<1x128xi32, #tpu.memory_space<vmem>>
      %dma_start3A_636 = tpu.memref_squeeze %dma_start3A_635 : memref<1x128xi32, #tpu.memory_space<vmem>> -> memref<128xi32, #tpu.memory_space<vmem>>
      %dma_start3A_637 = arith.constant 0 : i32
      %dma_start3A_638 = arith.constant 0 : i32
      %dma_start3A_639 = tpu.memref_slice %arg14[%dma_start3A_637, %dma_start3A_638] : memref<100x128xf32, #tpu.memory_space<vmem_shared>> -> memref<100x128xf32, #tpu.memory_space<vmem_shared>>
      tpu.enqueue_indirect_dma source(%dma_start3A_639 : memref<100x128xf32, #tpu.memory_space<vmem_shared>>) target(%arg12 : memref<128x128xf32, #tpu.memory_space<vmem>>) offsets(%dma_start3A_636 : memref<128xi32, #tpu.memory_space<vmem>>) semaphore(%arg22 : memref<!tpu.dma_semaphore, #tpu.memory_space<semaphore_mem>>)
      %dma_wait3A_640 = arith.constant 0 : i32
      %dma_wait3A_641 = tpu.memref_slice %arg4[%mul3A_4, %dma_wait3A_640] : memref<3276800x128xf32, #tpu.memory_space<hbm>> -> memref<128x128xf32, #tpu.memory_space<hbm>>
      %dma_wait3A_642 = arith.constant 0 : i32
      %dma_wait3A_643 = tpu.memref_slice %arg4[%mul3A_4, %dma_wait3A_642] : memref<3276800x128xf32, #tpu.memory_space<hbm>> -> memref<128x128xf32, #tpu.memory_space<hbm>>
      tpu.wait_dma2 semaphore(%arg20 : memref<!tpu.dma_semaphore, #tpu.memory_space<semaphore_mem>>) src(%dma_wait3A_643 : memref<128x128xf32, #tpu.memory_space<hbm>>) dst(%arg10 : memref<128x128xf32, #tpu.memory_space<vmem>>)
      %mul3A_644 = arith.constant 8 : i32
      %mul3A_645 = arith.muli %add3A_445, %mul3A_644 : i32
      %add3A_646 = arith.constant 6 : i32
      %add3A_647 = arith.addi %mul3A_645, %add3A_646 : i32
      %sub3A_648 = arith.constant 2 : i32
      %sub3A_649 = arith.subi %add3A_647, %sub3A_648 : i32
      %mul3A_650 = arith.constant 128 : i32
      %mul3A_651 = arith.muli %sub3A_649, %mul3A_650 : i32
      %add3A_652 = arith.addi %mul3A_4, %mul3A_651 : i32
      %dma_start3A_653 = arith.constant 0 : i32
      %dma_start3A_654 = tpu.memref_slice %arg4[%add3A_652, %dma_start3A_653] : memref<3276800x128xf32, #tpu.memory_space<hbm>> -> memref<128x128xf32, #tpu.memory_space<hbm>>
      %dma_start3A_655 = arith.constant 0 : i32
      %dma_start3A_656 = tpu.memref_slice %arg4[%add3A_652, %dma_start3A_655] : memref<3276800x128xf32, #tpu.memory_space<hbm>> -> memref<128x128xf32, #tpu.memory_space<hbm>>
      tpu.enqueue_dma source(%arg10 : memref<128x128xf32, #tpu.memory_space<vmem>>) target(%dma_start3A_656 : memref<128x128xf32, #tpu.memory_space<hbm>>) target_semaphore(%arg26 : memref<!tpu.dma_semaphore, #tpu.memory_space<semaphore_mem>>)
      %dma_wait3A_657 = arith.constant 0 : i32
      %dma_wait3A_658 = tpu.memref_slice %arg4[%mul3A_4, %dma_wait3A_657] : memref<3276800x128xf32, #tpu.memory_space<hbm>> -> memref<128x128xf32, #tpu.memory_space<hbm>>
      %dma_wait3A_659 = arith.constant 0 : i32
      %dma_wait3A_660 = tpu.memref_slice %arg4[%mul3A_4, %dma_wait3A_659] : memref<3276800x128xf32, #tpu.memory_space<hbm>> -> memref<128x128xf32, #tpu.memory_space<hbm>>
      tpu.wait_dma2 semaphore(%arg29 : memref<!tpu.dma_semaphore, #tpu.memory_space<semaphore_mem>>) src(%arg13 : memref<128x128xf32, #tpu.memory_space<vmem>>) dst(%dma_wait3A_660 : memref<128x128xf32, #tpu.memory_space<hbm>>)
      %dma_start3A_661 = arith.constant 7 : i32
      %dma_start3A_662 = arith.constant 0 : i32
      %dma_start3A_663 = tpu.memref_slice %arg7[%dma_start3A_661, %dma_start3A_662] : memref<8x128xi32, #tpu.memory_space<vmem>> -> memref<1x128xi32, #tpu.memory_space<vmem>>
      %dma_start3A_664 = tpu.memref_squeeze %dma_start3A_663 : memref<1x128xi32, #tpu.memory_space<vmem>> -> memref<128xi32, #tpu.memory_space<vmem>>
      %dma_start3A_665 = arith.constant 0 : i32
      %dma_start3A_666 = arith.constant 0 : i32
      %dma_start3A_667 = tpu.memref_slice %arg14[%dma_start3A_665, %dma_start3A_666] : memref<100x128xf32, #tpu.memory_space<vmem_shared>> -> memref<100x128xf32, #tpu.memory_space<vmem_shared>>
      tpu.enqueue_indirect_dma source(%dma_start3A_667 : memref<100x128xf32, #tpu.memory_space<vmem_shared>>) target(%arg13 : memref<128x128xf32, #tpu.memory_space<vmem>>) offsets(%dma_start3A_664 : memref<128xi32, #tpu.memory_space<vmem>>) semaphore(%arg23 : memref<!tpu.dma_semaphore, #tpu.memory_space<semaphore_mem>>)
      %dma_wait3A_668 = arith.constant 0 : i32
      %dma_wait3A_669 = tpu.memref_slice %arg4[%mul3A_4, %dma_wait3A_668] : memref<3276800x128xf32, #tpu.memory_space<hbm>> -> memref<128x128xf32, #tpu.memory_space<hbm>>
      %dma_wait3A_670 = arith.constant 0 : i32
      %dma_wait3A_671 = tpu.memref_slice %arg4[%mul3A_4, %dma_wait3A_670] : memref<3276800x128xf32, #tpu.memory_space<hbm>> -> memref<128x128xf32, #tpu.memory_space<hbm>>
      tpu.wait_dma2 semaphore(%arg21 : memref<!tpu.dma_semaphore, #tpu.memory_space<semaphore_mem>>) src(%dma_wait3A_671 : memref<128x128xf32, #tpu.memory_space<hbm>>) dst(%arg11 : memref<128x128xf32, #tpu.memory_space<vmem>>)
      %mul3A_672 = arith.constant 8 : i32
      %mul3A_673 = arith.muli %add3A_445, %mul3A_672 : i32
      %add3A_674 = arith.constant 7 : i32
      %add3A_675 = arith.addi %mul3A_673, %add3A_674 : i32
      %sub3A_676 = arith.constant 2 : i32
      %sub3A_677 = arith.subi %add3A_675, %sub3A_676 : i32
      %mul3A_678 = arith.constant 128 : i32
      %mul3A_679 = arith.muli %sub3A_677, %mul3A_678 : i32
      %add3A_680 = arith.addi %mul3A_4, %mul3A_679 : i32
      %dma_start3A_681 = arith.constant 0 : i32
      %dma_start3A_682 = tpu.memref_slice %arg4[%add3A_680, %dma_start3A_681] : memref<3276800x128xf32, #tpu.memory_space<hbm>> -> memref<128x128xf32, #tpu.memory_space<hbm>>
      %dma_start3A_683 = arith.constant 0 : i32
      %dma_start3A_684 = tpu.memref_slice %arg4[%add3A_680, %dma_start3A_683] : memref<3276800x128xf32, #tpu.memory_space<hbm>> -> memref<128x128xf32, #tpu.memory_space<hbm>>
      tpu.enqueue_dma source(%arg11 : memref<128x128xf32, #tpu.memory_space<vmem>>) target(%dma_start3A_684 : memref<128x128xf32, #tpu.memory_space<hbm>>) target_semaphore(%arg27 : memref<!tpu.dma_semaphore, #tpu.memory_space<semaphore_mem>>)
      %add3A_685 = arith.constant 2 : i32
      %add3A_686 = arith.addi %add3A_205, %add3A_685 : i32
      %dma_wait3A_687 = arith.constant 0 : i32
      %dma_wait3A_688 = tpu.memref_slice %arg3[%mul3A_2, %dma_wait3A_687] : memref<25600x128xi32, #tpu.memory_space<hbm>> -> memref<8x128xi32, #tpu.memory_space<hbm>>
      %dma_wait3A_689 = arith.constant 0 : i32
      %dma_wait3A_690 = tpu.memref_slice %arg3[%mul3A_2, %dma_wait3A_689] : memref<25600x128xi32, #tpu.memory_space<hbm>> -> memref<8x128xi32, #tpu.memory_space<hbm>>
      tpu.wait_dma2 semaphore(%arg15 : memref<!tpu.dma_semaphore, #tpu.memory_space<semaphore_mem>>) src(%dma_wait3A_690 : memref<8x128xi32, #tpu.memory_space<hbm>>) dst(%arg5 : memref<8x128xi32, #tpu.memory_space<vmem>>)
      %add3A_691 = arith.constant 1 : i32
      %add3A_692 = arith.addi %add3A_686, %add3A_691 : i32
      %min3A_693 = arith.constant 99 : i32
      %min3A_694 = arith.minsi %add3A_692, %min3A_693 : i32
      %mul3A_695 = arith.constant 8 : i32
      %mul3A_696 = arith.muli %min3A_694, %mul3A_695 : i32
      %add3A_697 = arith.addi %mul3A_2, %mul3A_696 : i32
      %dma_start3A_698 = arith.constant 0 : i32
      %dma_start3A_699 = tpu.memref_slice %arg3[%add3A_697, %dma_start3A_698] : memref<25600x128xi32, #tpu.memory_space<hbm>> -> memref<8x128xi32, #tpu.memory_space<hbm>>
      %dma_start3A_700 = arith.constant 0 : i32
      %dma_start3A_701 = tpu.memref_slice %arg3[%add3A_697, %dma_start3A_700] : memref<25600x128xi32, #tpu.memory_space<hbm>> -> memref<8x128xi32, #tpu.memory_space<hbm>>
      tpu.enqueue_dma source(%dma_start3A_701 : memref<8x128xi32, #tpu.memory_space<hbm>>) target(%arg6 : memref<8x128xi32, #tpu.memory_space<vmem>>) target_semaphore(%arg16 : memref<!tpu.dma_semaphore, #tpu.memory_space<semaphore_mem>>)
      %dma_wait3A_702 = arith.constant 0 : i32
      %dma_wait3A_703 = tpu.memref_slice %arg4[%mul3A_4, %dma_wait3A_702] : memref<3276800x128xf32, #tpu.memory_space<hbm>> -> memref<128x128xf32, #tpu.memory_space<hbm>>
      %dma_wait3A_704 = arith.constant 0 : i32
      %dma_wait3A_705 = tpu.memref_slice %arg4[%mul3A_4, %dma_wait3A_704] : memref<3276800x128xf32, #tpu.memory_space<hbm>> -> memref<128x128xf32, #tpu.memory_space<hbm>>
      tpu.wait_dma2 semaphore(%arg24 : memref<!tpu.dma_semaphore, #tpu.memory_space<semaphore_mem>>) src(%arg8 : memref<128x128xf32, #tpu.memory_space<vmem>>) dst(%dma_wait3A_705 : memref<128x128xf32, #tpu.memory_space<hbm>>)
      %dma_start3A_706 = arith.constant 0 : i32
      %dma_start3A_707 = arith.constant 0 : i32
      %dma_start3A_708 = tpu.memref_slice %arg5[%dma_start3A_706, %dma_start3A_707] : memref<8x128xi32, #tpu.memory_space<vmem>> -> memref<1x128xi32, #tpu.memory_space<vmem>>
      %dma_start3A_709 = tpu.memref_squeeze %dma_start3A_708 : memref<1x128xi32, #tpu.memory_space<vmem>> -> memref<128xi32, #tpu.memory_space<vmem>>
      %dma_start3A_710 = arith.constant 0 : i32
      %dma_start3A_711 = arith.constant 0 : i32
      %dma_start3A_712 = tpu.memref_slice %arg14[%dma_start3A_710, %dma_start3A_711] : memref<100x128xf32, #tpu.memory_space<vmem_shared>> -> memref<100x128xf32, #tpu.memory_space<vmem_shared>>
      tpu.enqueue_indirect_dma source(%dma_start3A_712 : memref<100x128xf32, #tpu.memory_space<vmem_shared>>) target(%arg8 : memref<128x128xf32, #tpu.memory_space<vmem>>) offsets(%dma_start3A_709 : memref<128xi32, #tpu.memory_space<vmem>>) semaphore(%arg18 : memref<!tpu.dma_semaphore, #tpu.memory_space<semaphore_mem>>)
      %dma_wait3A_713 = arith.constant 0 : i32
      %dma_wait3A_714 = tpu.memref_slice %arg4[%mul3A_4, %dma_wait3A_713] : memref<3276800x128xf32, #tpu.memory_space<hbm>> -> memref<128x128xf32, #tpu.memory_space<hbm>>
      %dma_wait3A_715 = arith.constant 0 : i32
      %dma_wait3A_716 = tpu.memref_slice %arg4[%mul3A_4, %dma_wait3A_715] : memref<3276800x128xf32, #tpu.memory_space<hbm>> -> memref<128x128xf32, #tpu.memory_space<hbm>>
      tpu.wait_dma2 semaphore(%arg22 : memref<!tpu.dma_semaphore, #tpu.memory_space<semaphore_mem>>) src(%dma_wait3A_716 : memref<128x128xf32, #tpu.memory_space<hbm>>) dst(%arg12 : memref<128x128xf32, #tpu.memory_space<vmem>>)
      %mul3A_717 = arith.constant 8 : i32
      %mul3A_718 = arith.muli %add3A_686, %mul3A_717 : i32
      %add3A_719 = arith.constant 0 : i32
      %add3A_720 = arith.addi %mul3A_718, %add3A_719 : i32
      %sub3A_721 = arith.constant 2 : i32
      %sub3A_722 = arith.subi %add3A_720, %sub3A_721 : i32
      %mul3A_723 = arith.constant 128 : i32
      %mul3A_724 = arith.muli %sub3A_722, %mul3A_723 : i32
      %add3A_725 = arith.addi %mul3A_4, %mul3A_724 : i32
      %dma_start3A_726 = arith.constant 0 : i32
      %dma_start3A_727 = tpu.memref_slice %arg4[%add3A_725, %dma_start3A_726] : memref<3276800x128xf32, #tpu.memory_space<hbm>> -> memref<128x128xf32, #tpu.memory_space<hbm>>
      %dma_start3A_728 = arith.constant 0 : i32
      %dma_start3A_729 = tpu.memref_slice %arg4[%add3A_725, %dma_start3A_728] : memref<3276800x128xf32, #tpu.memory_space<hbm>> -> memref<128x128xf32, #tpu.memory_space<hbm>>
      tpu.enqueue_dma source(%arg12 : memref<128x128xf32, #tpu.memory_space<vmem>>) target(%dma_start3A_729 : memref<128x128xf32, #tpu.memory_space<hbm>>) target_semaphore(%arg28 : memref<!tpu.dma_semaphore, #tpu.memory_space<semaphore_mem>>)
      %dma_wait3A_730 = arith.constant 0 : i32
      %dma_wait3A_731 = tpu.memref_slice %arg4[%mul3A_4, %dma_wait3A_730] : memref<3276800x128xf32, #tpu.memory_space<hbm>> -> memref<128x128xf32, #tpu.memory_space<hbm>>
      %dma_wait3A_732 = arith.constant 0 : i32
      %dma_wait3A_733 = tpu.memref_slice %arg4[%mul3A_4, %dma_wait3A_732] : memref<3276800x128xf32, #tpu.memory_space<hbm>> -> memref<128x128xf32, #tpu.memory_space<hbm>>
      tpu.wait_dma2 semaphore(%arg25 : memref<!tpu.dma_semaphore, #tpu.memory_space<semaphore_mem>>) src(%arg9 : memref<128x128xf32, #tpu.memory_space<vmem>>) dst(%dma_wait3A_733 : memref<128x128xf32, #tpu.memory_space<hbm>>)
      %dma_start3A_734 = arith.constant 1 : i32
      %dma_start3A_735 = arith.constant 0 : i32
      %dma_start3A_736 = tpu.memref_slice %arg5[%dma_start3A_734, %dma_start3A_735] : memref<8x128xi32, #tpu.memory_space<vmem>> -> memref<1x128xi32, #tpu.memory_space<vmem>>
      %dma_start3A_737 = tpu.memref_squeeze %dma_start3A_736 : memref<1x128xi32, #tpu.memory_space<vmem>> -> memref<128xi32, #tpu.memory_space<vmem>>
      %dma_start3A_738 = arith.constant 0 : i32
      %dma_start3A_739 = arith.constant 0 : i32
      %dma_start3A_740 = tpu.memref_slice %arg14[%dma_start3A_738, %dma_start3A_739] : memref<100x128xf32, #tpu.memory_space<vmem_shared>> -> memref<100x128xf32, #tpu.memory_space<vmem_shared>>
      tpu.enqueue_indirect_dma source(%dma_start3A_740 : memref<100x128xf32, #tpu.memory_space<vmem_shared>>) target(%arg9 : memref<128x128xf32, #tpu.memory_space<vmem>>) offsets(%dma_start3A_737 : memref<128xi32, #tpu.memory_space<vmem>>) semaphore(%arg19 : memref<!tpu.dma_semaphore, #tpu.memory_space<semaphore_mem>>)
      %dma_wait3A_741 = arith.constant 0 : i32
      %dma_wait3A_742 = tpu.memref_slice %arg4[%mul3A_4, %dma_wait3A_741] : memref<3276800x128xf32, #tpu.memory_space<hbm>> -> memref<128x128xf32, #tpu.memory_space<hbm>>
      %dma_wait3A_743 = arith.constant 0 : i32
      %dma_wait3A_744 = tpu.memref_slice %arg4[%mul3A_4, %dma_wait3A_743] : memref<3276800x128xf32, #tpu.memory_space<hbm>> -> memref<128x128xf32, #tpu.memory_space<hbm>>
      tpu.wait_dma2 semaphore(%arg23 : memref<!tpu.dma_semaphore, #tpu.memory_space<semaphore_mem>>) src(%dma_wait3A_744 : memref<128x128xf32, #tpu.memory_space<hbm>>) dst(%arg13 : memref<128x128xf32, #tpu.memory_space<vmem>>)
      %mul3A_745 = arith.constant 8 : i32
      %mul3A_746 = arith.muli %add3A_686, %mul3A_745 : i32
      %add3A_747 = arith.constant 1 : i32
      %add3A_748 = arith.addi %mul3A_746, %add3A_747 : i32
      %sub3A_749 = arith.constant 2 : i32
      %sub3A_750 = arith.subi %add3A_748, %sub3A_749 : i32
      %mul3A_751 = arith.constant 128 : i32
      %mul3A_752 = arith.muli %sub3A_750, %mul3A_751 : i32
      %add3A_753 = arith.addi %mul3A_4, %mul3A_752 : i32
      %dma_start3A_754 = arith.constant 0 : i32
      %dma_start3A_755 = tpu.memref_slice %arg4[%add3A_753, %dma_start3A_754] : memref<3276800x128xf32, #tpu.memory_space<hbm>> -> memref<128x128xf32, #tpu.memory_space<hbm>>
      %dma_start3A_756 = arith.constant 0 : i32
      %dma_start3A_757 = tpu.memref_slice %arg4[%add3A_753, %dma_start3A_756] : memref<3276800x128xf32, #tpu.memory_space<hbm>> -> memref<128x128xf32, #tpu.memory_space<hbm>>
      tpu.enqueue_dma source(%arg13 : memref<128x128xf32, #tpu.memory_space<vmem>>) target(%dma_start3A_757 : memref<128x128xf32, #tpu.memory_space<hbm>>) target_semaphore(%arg29 : memref<!tpu.dma_semaphore, #tpu.memory_space<semaphore_mem>>)
      %dma_wait3A_758 = arith.constant 0 : i32
      %dma_wait3A_759 = tpu.memref_slice %arg4[%mul3A_4, %dma_wait3A_758] : memref<3276800x128xf32, #tpu.memory_space<hbm>> -> memref<128x128xf32, #tpu.memory_space<hbm>>
      %dma_wait3A_760 = arith.constant 0 : i32
      %dma_wait3A_761 = tpu.memref_slice %arg4[%mul3A_4, %dma_wait3A_760] : memref<3276800x128xf32, #tpu.memory_space<hbm>> -> memref<128x128xf32, #tpu.memory_space<hbm>>
      tpu.wait_dma2 semaphore(%arg26 : memref<!tpu.dma_semaphore, #tpu.memory_space<semaphore_mem>>) src(%arg10 : memref<128x128xf32, #tpu.memory_space<vmem>>) dst(%dma_wait3A_761 : memref<128x128xf32, #tpu.memory_space<hbm>>)
      %dma_start3A_762 = arith.constant 2 : i32
      %dma_start3A_763 = arith.constant 0 : i32
      %dma_start3A_764 = tpu.memref_slice %arg5[%dma_start3A_762, %dma_start3A_763] : memref<8x128xi32, #tpu.memory_space<vmem>> -> memref<1x128xi32, #tpu.memory_space<vmem>>
      %dma_start3A_765 = tpu.memref_squeeze %dma_start3A_764 : memref<1x128xi32, #tpu.memory_space<vmem>> -> memref<128xi32, #tpu.memory_space<vmem>>
      %dma_start3A_766 = arith.constant 0 : i32
      %dma_start3A_767 = arith.constant 0 : i32
      %dma_start3A_768 = tpu.memref_slice %arg14[%dma_start3A_766, %dma_start3A_767] : memref<100x128xf32, #tpu.memory_space<vmem_shared>> -> memref<100x128xf32, #tpu.memory_space<vmem_shared>>
      tpu.enqueue_indirect_dma source(%dma_start3A_768 : memref<100x128xf32, #tpu.memory_space<vmem_shared>>) target(%arg10 : memref<128x128xf32, #tpu.memory_space<vmem>>) offsets(%dma_start3A_765 : memref<128xi32, #tpu.memory_space<vmem>>) semaphore(%arg20 : memref<!tpu.dma_semaphore, #tpu.memory_space<semaphore_mem>>)
      %dma_wait3A_769 = arith.constant 0 : i32
      %dma_wait3A_770 = tpu.memref_slice %arg4[%mul3A_4, %dma_wait3A_769] : memref<3276800x128xf32, #tpu.memory_space<hbm>> -> memref<128x128xf32, #tpu.memory_space<hbm>>
      %dma_wait3A_771 = arith.constant 0 : i32
      %dma_wait3A_772 = tpu.memref_slice %arg4[%mul3A_4, %dma_wait3A_771] : memref<3276800x128xf32, #tpu.memory_space<hbm>> -> memref<128x128xf32, #tpu.memory_space<hbm>>
      tpu.wait_dma2 semaphore(%arg18 : memref<!tpu.dma_semaphore, #tpu.memory_space<semaphore_mem>>) src(%dma_wait3A_772 : memref<128x128xf32, #tpu.memory_space<hbm>>) dst(%arg8 : memref<128x128xf32, #tpu.memory_space<vmem>>)
      %mul3A_773 = arith.constant 8 : i32
      %mul3A_774 = arith.muli %add3A_686, %mul3A_773 : i32
      %add3A_775 = arith.constant 2 : i32
      %add3A_776 = arith.addi %mul3A_774, %add3A_775 : i32
      %sub3A_777 = arith.constant 2 : i32
      %sub3A_778 = arith.subi %add3A_776, %sub3A_777 : i32
      %mul3A_779 = arith.constant 128 : i32
      %mul3A_780 = arith.muli %sub3A_778, %mul3A_779 : i32
      %add3A_781 = arith.addi %mul3A_4, %mul3A_780 : i32
      %dma_start3A_782 = arith.constant 0 : i32
      %dma_start3A_783 = tpu.memref_slice %arg4[%add3A_781, %dma_start3A_782] : memref<3276800x128xf32, #tpu.memory_space<hbm>> -> memref<128x128xf32, #tpu.memory_space<hbm>>
      %dma_start3A_784 = arith.constant 0 : i32
      %dma_start3A_785 = tpu.memref_slice %arg4[%add3A_781, %dma_start3A_784] : memref<3276800x128xf32, #tpu.memory_space<hbm>> -> memref<128x128xf32, #tpu.memory_space<hbm>>
      tpu.enqueue_dma source(%arg8 : memref<128x128xf32, #tpu.memory_space<vmem>>) target(%dma_start3A_785 : memref<128x128xf32, #tpu.memory_space<hbm>>) target_semaphore(%arg24 : memref<!tpu.dma_semaphore, #tpu.memory_space<semaphore_mem>>)
      %dma_wait3A_786 = arith.constant 0 : i32
      %dma_wait3A_787 = tpu.memref_slice %arg4[%mul3A_4, %dma_wait3A_786] : memref<3276800x128xf32, #tpu.memory_space<hbm>> -> memref<128x128xf32, #tpu.memory_space<hbm>>
      %dma_wait3A_788 = arith.constant 0 : i32
      %dma_wait3A_789 = tpu.memref_slice %arg4[%mul3A_4, %dma_wait3A_788] : memref<3276800x128xf32, #tpu.memory_space<hbm>> -> memref<128x128xf32, #tpu.memory_space<hbm>>
      tpu.wait_dma2 semaphore(%arg27 : memref<!tpu.dma_semaphore, #tpu.memory_space<semaphore_mem>>) src(%arg11 : memref<128x128xf32, #tpu.memory_space<vmem>>) dst(%dma_wait3A_789 : memref<128x128xf32, #tpu.memory_space<hbm>>)
      %dma_start3A_790 = arith.constant 3 : i32
      %dma_start3A_791 = arith.constant 0 : i32
      %dma_start3A_792 = tpu.memref_slice %arg5[%dma_start3A_790, %dma_start3A_791] : memref<8x128xi32, #tpu.memory_space<vmem>> -> memref<1x128xi32, #tpu.memory_space<vmem>>
      %dma_start3A_793 = tpu.memref_squeeze %dma_start3A_792 : memref<1x128xi32, #tpu.memory_space<vmem>> -> memref<128xi32, #tpu.memory_space<vmem>>
      %dma_start3A_794 = arith.constant 0 : i32
      %dma_start3A_795 = arith.constant 0 : i32
      %dma_start3A_796 = tpu.memref_slice %arg14[%dma_start3A_794, %dma_start3A_795] : memref<100x128xf32, #tpu.memory_space<vmem_shared>> -> memref<100x128xf32, #tpu.memory_space<vmem_shared>>
      tpu.enqueue_indirect_dma source(%dma_start3A_796 : memref<100x128xf32, #tpu.memory_space<vmem_shared>>) target(%arg11 : memref<128x128xf32, #tpu.memory_space<vmem>>) offsets(%dma_start3A_793 : memref<128xi32, #tpu.memory_space<vmem>>) semaphore(%arg21 : memref<!tpu.dma_semaphore, #tpu.memory_space<semaphore_mem>>)
      %dma_wait3A_797 = arith.constant 0 : i32
      %dma_wait3A_798 = tpu.memref_slice %arg4[%mul3A_4, %dma_wait3A_797] : memref<3276800x128xf32, #tpu.memory_space<hbm>> -> memref<128x128xf32, #tpu.memory_space<hbm>>
      %dma_wait3A_799 = arith.constant 0 : i32
      %dma_wait3A_800 = tpu.memref_slice %arg4[%mul3A_4, %dma_wait3A_799] : memref<3276800x128xf32, #tpu.memory_space<hbm>> -> memref<128x128xf32, #tpu.memory_space<hbm>>
      tpu.wait_dma2 semaphore(%arg19 : memref<!tpu.dma_semaphore, #tpu.memory_space<semaphore_mem>>) src(%dma_wait3A_800 : memref<128x128xf32, #tpu.memory_space<hbm>>) dst(%arg9 : memref<128x128xf32, #tpu.memory_space<vmem>>)
      %mul3A_801 = arith.constant 8 : i32
      %mul3A_802 = arith.muli %add3A_686, %mul3A_801 : i32
      %add3A_803 = arith.constant 3 : i32
      %add3A_804 = arith.addi %mul3A_802, %add3A_803 : i32
      %sub3A_805 = arith.constant 2 : i32
      %sub3A_806 = arith.subi %add3A_804, %sub3A_805 : i32
      %mul3A_807 = arith.constant 128 : i32
      %mul3A_808 = arith.muli %sub3A_806, %mul3A_807 : i32
      %add3A_809 = arith.addi %mul3A_4, %mul3A_808 : i32
      %dma_start3A_810 = arith.constant 0 : i32
      %dma_start3A_811 = tpu.memref_slice %arg4[%add3A_809, %dma_start3A_810] : memref<3276800x128xf32, #tpu.memory_space<hbm>> -> memref<128x128xf32, #tpu.memory_space<hbm>>
      %dma_start3A_812 = arith.constant 0 : i32
      %dma_start3A_813 = tpu.memref_slice %arg4[%add3A_809, %dma_start3A_812] : memref<3276800x128xf32, #tpu.memory_space<hbm>> -> memref<128x128xf32, #tpu.memory_space<hbm>>
      tpu.enqueue_dma source(%arg9 : memref<128x128xf32, #tpu.memory_space<vmem>>) target(%dma_start3A_813 : memref<128x128xf32, #tpu.memory_space<hbm>>) target_semaphore(%arg25 : memref<!tpu.dma_semaphore, #tpu.memory_space<semaphore_mem>>)
      %dma_wait3A_814 = arith.constant 0 : i32
      %dma_wait3A_815 = tpu.memref_slice %arg4[%mul3A_4, %dma_wait3A_814] : memref<3276800x128xf32, #tpu.memory_space<hbm>> -> memref<128x128xf32, #tpu.memory_space<hbm>>
      %dma_wait3A_816 = arith.constant 0 : i32
      %dma_wait3A_817 = tpu.memref_slice %arg4[%mul3A_4, %dma_wait3A_816] : memref<3276800x128xf32, #tpu.memory_space<hbm>> -> memref<128x128xf32, #tpu.memory_space<hbm>>
      tpu.wait_dma2 semaphore(%arg28 : memref<!tpu.dma_semaphore, #tpu.memory_space<semaphore_mem>>) src(%arg12 : memref<128x128xf32, #tpu.memory_space<vmem>>) dst(%dma_wait3A_817 : memref<128x128xf32, #tpu.memory_space<hbm>>)
      %dma_start3A_818 = arith.constant 4 : i32
      %dma_start3A_819 = arith.constant 0 : i32
      %dma_start3A_820 = tpu.memref_slice %arg5[%dma_start3A_818, %dma_start3A_819] : memref<8x128xi32, #tpu.memory_space<vmem>> -> memref<1x128xi32, #tpu.memory_space<vmem>>
      %dma_start3A_821 = tpu.memref_squeeze %dma_start3A_820 : memref<1x128xi32, #tpu.memory_space<vmem>> -> memref<128xi32, #tpu.memory_space<vmem>>
      %dma_start3A_822 = arith.constant 0 : i32
      %dma_start3A_823 = arith.constant 0 : i32
      %dma_start3A_824 = tpu.memref_slice %arg14[%dma_start3A_822, %dma_start3A_823] : memref<100x128xf32, #tpu.memory_space<vmem_shared>> -> memref<100x128xf32, #tpu.memory_space<vmem_shared>>
      tpu.enqueue_indirect_dma source(%dma_start3A_824 : memref<100x128xf32, #tpu.memory_space<vmem_shared>>) target(%arg12 : memref<128x128xf32, #tpu.memory_space<vmem>>) offsets(%dma_start3A_821 : memref<128xi32, #tpu.memory_space<vmem>>) semaphore(%arg22 : memref<!tpu.dma_semaphore, #tpu.memory_space<semaphore_mem>>)
      %dma_wait3A_825 = arith.constant 0 : i32
      %dma_wait3A_826 = tpu.memref_slice %arg4[%mul3A_4, %dma_wait3A_825] : memref<3276800x128xf32, #tpu.memory_space<hbm>> -> memref<128x128xf32, #tpu.memory_space<hbm>>
      %dma_wait3A_827 = arith.constant 0 : i32
      %dma_wait3A_828 = tpu.memref_slice %arg4[%mul3A_4, %dma_wait3A_827] : memref<3276800x128xf32, #tpu.memory_space<hbm>> -> memref<128x128xf32, #tpu.memory_space<hbm>>
      tpu.wait_dma2 semaphore(%arg20 : memref<!tpu.dma_semaphore, #tpu.memory_space<semaphore_mem>>) src(%dma_wait3A_828 : memref<128x128xf32, #tpu.memory_space<hbm>>) dst(%arg10 : memref<128x128xf32, #tpu.memory_space<vmem>>)
      %mul3A_829 = arith.constant 8 : i32
      %mul3A_830 = arith.muli %add3A_686, %mul3A_829 : i32
      %add3A_831 = arith.constant 4 : i32
      %add3A_832 = arith.addi %mul3A_830, %add3A_831 : i32
      %sub3A_833 = arith.constant 2 : i32
      %sub3A_834 = arith.subi %add3A_832, %sub3A_833 : i32
      %mul3A_835 = arith.constant 128 : i32
      %mul3A_836 = arith.muli %sub3A_834, %mul3A_835 : i32
      %add3A_837 = arith.addi %mul3A_4, %mul3A_836 : i32
      %dma_start3A_838 = arith.constant 0 : i32
      %dma_start3A_839 = tpu.memref_slice %arg4[%add3A_837, %dma_start3A_838] : memref<3276800x128xf32, #tpu.memory_space<hbm>> -> memref<128x128xf32, #tpu.memory_space<hbm>>
      %dma_start3A_840 = arith.constant 0 : i32
      %dma_start3A_841 = tpu.memref_slice %arg4[%add3A_837, %dma_start3A_840] : memref<3276800x128xf32, #tpu.memory_space<hbm>> -> memref<128x128xf32, #tpu.memory_space<hbm>>
      tpu.enqueue_dma source(%arg10 : memref<128x128xf32, #tpu.memory_space<vmem>>) target(%dma_start3A_841 : memref<128x128xf32, #tpu.memory_space<hbm>>) target_semaphore(%arg26 : memref<!tpu.dma_semaphore, #tpu.memory_space<semaphore_mem>>)
      %dma_wait3A_842 = arith.constant 0 : i32
      %dma_wait3A_843 = tpu.memref_slice %arg4[%mul3A_4, %dma_wait3A_842] : memref<3276800x128xf32, #tpu.memory_space<hbm>> -> memref<128x128xf32, #tpu.memory_space<hbm>>
      %dma_wait3A_844 = arith.constant 0 : i32
      %dma_wait3A_845 = tpu.memref_slice %arg4[%mul3A_4, %dma_wait3A_844] : memref<3276800x128xf32, #tpu.memory_space<hbm>> -> memref<128x128xf32, #tpu.memory_space<hbm>>
      tpu.wait_dma2 semaphore(%arg29 : memref<!tpu.dma_semaphore, #tpu.memory_space<semaphore_mem>>) src(%arg13 : memref<128x128xf32, #tpu.memory_space<vmem>>) dst(%dma_wait3A_845 : memref<128x128xf32, #tpu.memory_space<hbm>>)
      %dma_start3A_846 = arith.constant 5 : i32
      %dma_start3A_847 = arith.constant 0 : i32
      %dma_start3A_848 = tpu.memref_slice %arg5[%dma_start3A_846, %dma_start3A_847] : memref<8x128xi32, #tpu.memory_space<vmem>> -> memref<1x128xi32, #tpu.memory_space<vmem>>
      %dma_start3A_849 = tpu.memref_squeeze %dma_start3A_848 : memref<1x128xi32, #tpu.memory_space<vmem>> -> memref<128xi32, #tpu.memory_space<vmem>>
      %dma_start3A_850 = arith.constant 0 : i32
      %dma_start3A_851 = arith.constant 0 : i32
      %dma_start3A_852 = tpu.memref_slice %arg14[%dma_start3A_850, %dma_start3A_851] : memref<100x128xf32, #tpu.memory_space<vmem_shared>> -> memref<100x128xf32, #tpu.memory_space<vmem_shared>>
      tpu.enqueue_indirect_dma source(%dma_start3A_852 : memref<100x128xf32, #tpu.memory_space<vmem_shared>>) target(%arg13 : memref<128x128xf32, #tpu.memory_space<vmem>>) offsets(%dma_start3A_849 : memref<128xi32, #tpu.memory_space<vmem>>) semaphore(%arg23 : memref<!tpu.dma_semaphore, #tpu.memory_space<semaphore_mem>>)
      %dma_wait3A_853 = arith.constant 0 : i32
      %dma_wait3A_854 = tpu.memref_slice %arg4[%mul3A_4, %dma_wait3A_853] : memref<3276800x128xf32, #tpu.memory_space<hbm>> -> memref<128x128xf32, #tpu.memory_space<hbm>>
      %dma_wait3A_855 = arith.constant 0 : i32
      %dma_wait3A_856 = tpu.memref_slice %arg4[%mul3A_4, %dma_wait3A_855] : memref<3276800x128xf32, #tpu.memory_space<hbm>> -> memref<128x128xf32, #tpu.memory_space<hbm>>
      tpu.wait_dma2 semaphore(%arg21 : memref<!tpu.dma_semaphore, #tpu.memory_space<semaphore_mem>>) src(%dma_wait3A_856 : memref<128x128xf32, #tpu.memory_space<hbm>>) dst(%arg11 : memref<128x128xf32, #tpu.memory_space<vmem>>)
      %mul3A_857 = arith.constant 8 : i32
      %mul3A_858 = arith.muli %add3A_686, %mul3A_857 : i32
      %add3A_859 = arith.constant 5 : i32
      %add3A_860 = arith.addi %mul3A_858, %add3A_859 : i32
      %sub3A_861 = arith.constant 2 : i32
      %sub3A_862 = arith.subi %add3A_860, %sub3A_861 : i32
      %mul3A_863 = arith.constant 128 : i32
      %mul3A_864 = arith.muli %sub3A_862, %mul3A_863 : i32
      %add3A_865 = arith.addi %mul3A_4, %mul3A_864 : i32
      %dma_start3A_866 = arith.constant 0 : i32
      %dma_start3A_867 = tpu.memref_slice %arg4[%add3A_865, %dma_start3A_866] : memref<3276800x128xf32, #tpu.memory_space<hbm>> -> memref<128x128xf32, #tpu.memory_space<hbm>>
      %dma_start3A_868 = arith.constant 0 : i32
      %dma_start3A_869 = tpu.memref_slice %arg4[%add3A_865, %dma_start3A_868] : memref<3276800x128xf32, #tpu.memory_space<hbm>> -> memref<128x128xf32, #tpu.memory_space<hbm>>
      tpu.enqueue_dma source(%arg11 : memref<128x128xf32, #tpu.memory_space<vmem>>) target(%dma_start3A_869 : memref<128x128xf32, #tpu.memory_space<hbm>>) target_semaphore(%arg27 : memref<!tpu.dma_semaphore, #tpu.memory_space<semaphore_mem>>)
      %dma_wait3A_870 = arith.constant 0 : i32
      %dma_wait3A_871 = tpu.memref_slice %arg4[%mul3A_4, %dma_wait3A_870] : memref<3276800x128xf32, #tpu.memory_space<hbm>> -> memref<128x128xf32, #tpu.memory_space<hbm>>
      %dma_wait3A_872 = arith.constant 0 : i32
      %dma_wait3A_873 = tpu.memref_slice %arg4[%mul3A_4, %dma_wait3A_872] : memref<3276800x128xf32, #tpu.memory_space<hbm>> -> memref<128x128xf32, #tpu.memory_space<hbm>>
      tpu.wait_dma2 semaphore(%arg24 : memref<!tpu.dma_semaphore, #tpu.memory_space<semaphore_mem>>) src(%arg8 : memref<128x128xf32, #tpu.memory_space<vmem>>) dst(%dma_wait3A_873 : memref<128x128xf32, #tpu.memory_space<hbm>>)
      %dma_start3A_874 = arith.constant 6 : i32
      %dma_start3A_875 = arith.constant 0 : i32
      %dma_start3A_876 = tpu.memref_slice %arg5[%dma_start3A_874, %dma_start3A_875] : memref<8x128xi32, #tpu.memory_space<vmem>> -> memref<1x128xi32, #tpu.memory_space<vmem>>
      %dma_start3A_877 = tpu.memref_squeeze %dma_start3A_876 : memref<1x128xi32, #tpu.memory_space<vmem>> -> memref<128xi32, #tpu.memory_space<vmem>>
      %dma_start3A_878 = arith.constant 0 : i32
      %dma_start3A_879 = arith.constant 0 : i32
      %dma_start3A_880 = tpu.memref_slice %arg14[%dma_start3A_878, %dma_start3A_879] : memref<100x128xf32, #tpu.memory_space<vmem_shared>> -> memref<100x128xf32, #tpu.memory_space<vmem_shared>>
      tpu.enqueue_indirect_dma source(%dma_start3A_880 : memref<100x128xf32, #tpu.memory_space<vmem_shared>>) target(%arg8 : memref<128x128xf32, #tpu.memory_space<vmem>>) offsets(%dma_start3A_877 : memref<128xi32, #tpu.memory_space<vmem>>) semaphore(%arg18 : memref<!tpu.dma_semaphore, #tpu.memory_space<semaphore_mem>>)
      %dma_wait3A_881 = arith.constant 0 : i32
      %dma_wait3A_882 = tpu.memref_slice %arg4[%mul3A_4, %dma_wait3A_881] : memref<3276800x128xf32, #tpu.memory_space<hbm>> -> memref<128x128xf32, #tpu.memory_space<hbm>>
      %dma_wait3A_883 = arith.constant 0 : i32
      %dma_wait3A_884 = tpu.memref_slice %arg4[%mul3A_4, %dma_wait3A_883] : memref<3276800x128xf32, #tpu.memory_space<hbm>> -> memref<128x128xf32, #tpu.memory_space<hbm>>
      tpu.wait_dma2 semaphore(%arg22 : memref<!tpu.dma_semaphore, #tpu.memory_space<semaphore_mem>>) src(%dma_wait3A_884 : memref<128x128xf32, #tpu.memory_space<hbm>>) dst(%arg12 : memref<128x128xf32, #tpu.memory_space<vmem>>)
      %mul3A_885 = arith.constant 8 : i32
      %mul3A_886 = arith.muli %add3A_686, %mul3A_885 : i32
      %add3A_887 = arith.constant 6 : i32
      %add3A_888 = arith.addi %mul3A_886, %add3A_887 : i32
      %sub3A_889 = arith.constant 2 : i32
      %sub3A_890 = arith.subi %add3A_888, %sub3A_889 : i32
      %mul3A_891 = arith.constant 128 : i32
      %mul3A_892 = arith.muli %sub3A_890, %mul3A_891 : i32
      %add3A_893 = arith.addi %mul3A_4, %mul3A_892 : i32
      %dma_start3A_894 = arith.constant 0 : i32
      %dma_start3A_895 = tpu.memref_slice %arg4[%add3A_893, %dma_start3A_894] : memref<3276800x128xf32, #tpu.memory_space<hbm>> -> memref<128x128xf32, #tpu.memory_space<hbm>>
      %dma_start3A_896 = arith.constant 0 : i32
      %dma_start3A_897 = tpu.memref_slice %arg4[%add3A_893, %dma_start3A_896] : memref<3276800x128xf32, #tpu.memory_space<hbm>> -> memref<128x128xf32, #tpu.memory_space<hbm>>
      tpu.enqueue_dma source(%arg12 : memref<128x128xf32, #tpu.memory_space<vmem>>) target(%dma_start3A_897 : memref<128x128xf32, #tpu.memory_space<hbm>>) target_semaphore(%arg28 : memref<!tpu.dma_semaphore, #tpu.memory_space<semaphore_mem>>)
      %dma_wait3A_898 = arith.constant 0 : i32
      %dma_wait3A_899 = tpu.memref_slice %arg4[%mul3A_4, %dma_wait3A_898] : memref<3276800x128xf32, #tpu.memory_space<hbm>> -> memref<128x128xf32, #tpu.memory_space<hbm>>
      %dma_wait3A_900 = arith.constant 0 : i32
      %dma_wait3A_901 = tpu.memref_slice %arg4[%mul3A_4, %dma_wait3A_900] : memref<3276800x128xf32, #tpu.memory_space<hbm>> -> memref<128x128xf32, #tpu.memory_space<hbm>>
      tpu.wait_dma2 semaphore(%arg25 : memref<!tpu.dma_semaphore, #tpu.memory_space<semaphore_mem>>) src(%arg9 : memref<128x128xf32, #tpu.memory_space<vmem>>) dst(%dma_wait3A_901 : memref<128x128xf32, #tpu.memory_space<hbm>>)
      %dma_start3A_902 = arith.constant 7 : i32
      %dma_start3A_903 = arith.constant 0 : i32
      %dma_start3A_904 = tpu.memref_slice %arg5[%dma_start3A_902, %dma_start3A_903] : memref<8x128xi32, #tpu.memory_space<vmem>> -> memref<1x128xi32, #tpu.memory_space<vmem>>
      %dma_start3A_905 = tpu.memref_squeeze %dma_start3A_904 : memref<1x128xi32, #tpu.memory_space<vmem>> -> memref<128xi32, #tpu.memory_space<vmem>>
      %dma_start3A_906 = arith.constant 0 : i32
      %dma_start3A_907 = arith.constant 0 : i32
      %dma_start3A_908 = tpu.memref_slice %arg14[%dma_start3A_906, %dma_start3A_907] : memref<100x128xf32, #tpu.memory_space<vmem_shared>> -> memref<100x128xf32, #tpu.memory_space<vmem_shared>>
      tpu.enqueue_indirect_dma source(%dma_start3A_908 : memref<100x128xf32, #tpu.memory_space<vmem_shared>>) target(%arg9 : memref<128x128xf32, #tpu.memory_space<vmem>>) offsets(%dma_start3A_905 : memref<128xi32, #tpu.memory_space<vmem>>) semaphore(%arg19 : memref<!tpu.dma_semaphore, #tpu.memory_space<semaphore_mem>>)
      %dma_wait3A_909 = arith.constant 0 : i32
      %dma_wait3A_910 = tpu.memref_slice %arg4[%mul3A_4, %dma_wait3A_909] : memref<3276800x128xf32, #tpu.memory_space<hbm>> -> memref<128x128xf32, #tpu.memory_space<hbm>>
      %dma_wait3A_911 = arith.constant 0 : i32
      %dma_wait3A_912 = tpu.memref_slice %arg4[%mul3A_4, %dma_wait3A_911] : memref<3276800x128xf32, #tpu.memory_space<hbm>> -> memref<128x128xf32, #tpu.memory_space<hbm>>
      tpu.wait_dma2 semaphore(%arg23 : memref<!tpu.dma_semaphore, #tpu.memory_space<semaphore_mem>>) src(%dma_wait3A_912 : memref<128x128xf32, #tpu.memory_space<hbm>>) dst(%arg13 : memref<128x128xf32, #tpu.memory_space<vmem>>)
      %mul3A_913 = arith.constant 8 : i32
      %mul3A_914 = arith.muli %add3A_686, %mul3A_913 : i32
      %add3A_915 = arith.constant 7 : i32
      %add3A_916 = arith.addi %mul3A_914, %add3A_915 : i32
      %sub3A_917 = arith.constant 2 : i32
      %sub3A_918 = arith.subi %add3A_916, %sub3A_917 : i32
      %mul3A_919 = arith.constant 128 : i32
      %mul3A_920 = arith.muli %sub3A_918, %mul3A_919 : i32
      %add3A_921 = arith.addi %mul3A_4, %mul3A_920 : i32
      %dma_start3A_922 = arith.constant 0 : i32
      %dma_start3A_923 = tpu.memref_slice %arg4[%add3A_921, %dma_start3A_922] : memref<3276800x128xf32, #tpu.memory_space<hbm>> -> memref<128x128xf32, #tpu.memory_space<hbm>>
      %dma_start3A_924 = arith.constant 0 : i32
      %dma_start3A_925 = tpu.memref_slice %arg4[%add3A_921, %dma_start3A_924] : memref<3276800x128xf32, #tpu.memory_space<hbm>> -> memref<128x128xf32, #tpu.memory_space<hbm>>
      tpu.enqueue_dma source(%arg13 : memref<128x128xf32, #tpu.memory_space<vmem>>) target(%dma_start3A_925 : memref<128x128xf32, #tpu.memory_space<hbm>>) target_semaphore(%arg29 : memref<!tpu.dma_semaphore, #tpu.memory_space<semaphore_mem>>)
    }
    %scan3A_152 = arith.constant 33 : i32
    %dma_wait3A_153 = arith.constant 0 : i32
    %dma_wait3A_154 = tpu.memref_slice %arg4[%mul3A_4, %dma_wait3A_153] : memref<3276800x128xf32, #tpu.memory_space<hbm>> -> memref<128x128xf32, #tpu.memory_space<hbm>>
    %dma_wait3A_155 = arith.constant 0 : i32
    %dma_wait3A_156 = tpu.memref_slice %arg4[%mul3A_4, %dma_wait3A_155] : memref<3276800x128xf32, #tpu.memory_space<hbm>> -> memref<128x128xf32, #tpu.memory_space<hbm>>
    tpu.wait_dma2 semaphore(%arg18 : memref<!tpu.dma_semaphore, #tpu.memory_space<semaphore_mem>>) src(%dma_wait3A_156 : memref<128x128xf32, #tpu.memory_space<hbm>>) dst(%arg8 : memref<128x128xf32, #tpu.memory_space<vmem>>)
    %add3A_157 = arith.constant 102144 : i32
    %add3A_158 = arith.addi %mul3A_4, %add3A_157 : i32
    %dma_start3A_159 = arith.constant 0 : i32
    %dma_start3A_160 = tpu.memref_slice %arg4[%add3A_158, %dma_start3A_159] : memref<3276800x128xf32, #tpu.memory_space<hbm>> -> memref<128x128xf32, #tpu.memory_space<hbm>>
    %dma_start3A_161 = arith.constant 0 : i32
    %dma_start3A_162 = tpu.memref_slice %arg4[%add3A_158, %dma_start3A_161] : memref<3276800x128xf32, #tpu.memory_space<hbm>> -> memref<128x128xf32, #tpu.memory_space<hbm>>
    tpu.enqueue_dma source(%arg8 : memref<128x128xf32, #tpu.memory_space<vmem>>) target(%dma_start3A_162 : memref<128x128xf32, #tpu.memory_space<hbm>>) target_semaphore(%arg24 : memref<!tpu.dma_semaphore, #tpu.memory_space<semaphore_mem>>)
    %dma_wait3A_163 = arith.constant 0 : i32
    %dma_wait3A_164 = tpu.memref_slice %arg4[%mul3A_4, %dma_wait3A_163] : memref<3276800x128xf32, #tpu.memory_space<hbm>> -> memref<128x128xf32, #tpu.memory_space<hbm>>
    %dma_wait3A_165 = arith.constant 0 : i32
    %dma_wait3A_166 = tpu.memref_slice %arg4[%mul3A_4, %dma_wait3A_165] : memref<3276800x128xf32, #tpu.memory_space<hbm>> -> memref<128x128xf32, #tpu.memory_space<hbm>>
    tpu.wait_dma2 semaphore(%arg19 : memref<!tpu.dma_semaphore, #tpu.memory_space<semaphore_mem>>) src(%dma_wait3A_166 : memref<128x128xf32, #tpu.memory_space<hbm>>) dst(%arg9 : memref<128x128xf32, #tpu.memory_space<vmem>>)
    %add3A_167 = arith.constant 102272 : i32
    %add3A_168 = arith.addi %mul3A_4, %add3A_167 : i32
    %dma_start3A_169 = arith.constant 0 : i32
    %dma_start3A_170 = tpu.memref_slice %arg4[%add3A_168, %dma_start3A_169] : memref<3276800x128xf32, #tpu.memory_space<hbm>> -> memref<128x128xf32, #tpu.memory_space<hbm>>
    %dma_start3A_171 = arith.constant 0 : i32
    %dma_start3A_172 = tpu.memref_slice %arg4[%add3A_168, %dma_start3A_171] : memref<3276800x128xf32, #tpu.memory_space<hbm>> -> memref<128x128xf32, #tpu.memory_space<hbm>>
    tpu.enqueue_dma source(%arg9 : memref<128x128xf32, #tpu.memory_space<vmem>>) target(%dma_start3A_172 : memref<128x128xf32, #tpu.memory_space<hbm>>) target_semaphore(%arg25 : memref<!tpu.dma_semaphore, #tpu.memory_space<semaphore_mem>>)
    %dma_wait3A_173 = arith.constant 0 : i32
    %dma_wait3A_174 = tpu.memref_slice %arg3[%mul3A_2, %dma_wait3A_173] : memref<25600x128xi32, #tpu.memory_space<hbm>> -> memref<8x128xi32, #tpu.memory_space<hbm>>
    %dma_wait3A_175 = arith.constant 0 : i32
    %dma_wait3A_176 = tpu.memref_slice %arg3[%mul3A_2, %dma_wait3A_175] : memref<25600x128xi32, #tpu.memory_space<hbm>> -> memref<8x128xi32, #tpu.memory_space<hbm>>
    tpu.wait_dma2 semaphore(%arg16 : memref<!tpu.dma_semaphore, #tpu.memory_space<semaphore_mem>>) src(%dma_wait3A_176 : memref<8x128xi32, #tpu.memory_space<hbm>>) dst(%arg6 : memref<8x128xi32, #tpu.memory_space<vmem>>)
    %dma_wait3A_177 = arith.constant 0 : i32
    %dma_wait3A_178 = tpu.memref_slice %arg4[%mul3A_4, %dma_wait3A_177] : memref<3276800x128xf32, #tpu.memory_space<hbm>> -> memref<128x128xf32, #tpu.memory_space<hbm>>
    %dma_wait3A_179 = arith.constant 0 : i32
    %dma_wait3A_180 = tpu.memref_slice %arg4[%mul3A_4, %dma_wait3A_179] : memref<3276800x128xf32, #tpu.memory_space<hbm>> -> memref<128x128xf32, #tpu.memory_space<hbm>>
    tpu.wait_dma2 semaphore(%arg24 : memref<!tpu.dma_semaphore, #tpu.memory_space<semaphore_mem>>) src(%arg8 : memref<128x128xf32, #tpu.memory_space<vmem>>) dst(%dma_wait3A_180 : memref<128x128xf32, #tpu.memory_space<hbm>>)
    %dma_wait3A_181 = arith.constant 0 : i32
    %dma_wait3A_182 = tpu.memref_slice %arg4[%mul3A_4, %dma_wait3A_181] : memref<3276800x128xf32, #tpu.memory_space<hbm>> -> memref<128x128xf32, #tpu.memory_space<hbm>>
    %dma_wait3A_183 = arith.constant 0 : i32
    %dma_wait3A_184 = tpu.memref_slice %arg4[%mul3A_4, %dma_wait3A_183] : memref<3276800x128xf32, #tpu.memory_space<hbm>> -> memref<128x128xf32, #tpu.memory_space<hbm>>
    tpu.wait_dma2 semaphore(%arg25 : memref<!tpu.dma_semaphore, #tpu.memory_space<semaphore_mem>>) src(%arg9 : memref<128x128xf32, #tpu.memory_space<vmem>>) dst(%dma_wait3A_184 : memref<128x128xf32, #tpu.memory_space<hbm>>)
    %dma_wait3A_185 = arith.constant 0 : i32
    %dma_wait3A_186 = tpu.memref_slice %arg4[%mul3A_4, %dma_wait3A_185] : memref<3276800x128xf32, #tpu.memory_space<hbm>> -> memref<128x128xf32, #tpu.memory_space<hbm>>
    %dma_wait3A_187 = arith.constant 0 : i32
    %dma_wait3A_188 = tpu.memref_slice %arg4[%mul3A_4, %dma_wait3A_187] : memref<3276800x128xf32, #tpu.memory_space<hbm>> -> memref<128x128xf32, #tpu.memory_space<hbm>>
    tpu.wait_dma2 semaphore(%arg26 : memref<!tpu.dma_semaphore, #tpu.memory_space<semaphore_mem>>) src(%arg10 : memref<128x128xf32, #tpu.memory_space<vmem>>) dst(%dma_wait3A_188 : memref<128x128xf32, #tpu.memory_space<hbm>>)
    %dma_wait3A_189 = arith.constant 0 : i32
    %dma_wait3A_190 = tpu.memref_slice %arg4[%mul3A_4, %dma_wait3A_189] : memref<3276800x128xf32, #tpu.memory_space<hbm>> -> memref<128x128xf32, #tpu.memory_space<hbm>>
    %dma_wait3A_191 = arith.constant 0 : i32
    %dma_wait3A_192 = tpu.memref_slice %arg4[%mul3A_4, %dma_wait3A_191] : memref<3276800x128xf32, #tpu.memory_space<hbm>> -> memref<128x128xf32, #tpu.memory_space<hbm>>
    tpu.wait_dma2 semaphore(%arg27 : memref<!tpu.dma_semaphore, #tpu.memory_space<semaphore_mem>>) src(%arg11 : memref<128x128xf32, #tpu.memory_space<vmem>>) dst(%dma_wait3A_192 : memref<128x128xf32, #tpu.memory_space<hbm>>)
    %dma_wait3A_193 = arith.constant 0 : i32
    %dma_wait3A_194 = tpu.memref_slice %arg4[%mul3A_4, %dma_wait3A_193] : memref<3276800x128xf32, #tpu.memory_space<hbm>> -> memref<128x128xf32, #tpu.memory_space<hbm>>
    %dma_wait3A_195 = arith.constant 0 : i32
    %dma_wait3A_196 = tpu.memref_slice %arg4[%mul3A_4, %dma_wait3A_195] : memref<3276800x128xf32, #tpu.memory_space<hbm>> -> memref<128x128xf32, #tpu.memory_space<hbm>>
    tpu.wait_dma2 semaphore(%arg28 : memref<!tpu.dma_semaphore, #tpu.memory_space<semaphore_mem>>) src(%arg12 : memref<128x128xf32, #tpu.memory_space<vmem>>) dst(%dma_wait3A_196 : memref<128x128xf32, #tpu.memory_space<hbm>>)
    %dma_wait3A_197 = arith.constant 0 : i32
    %dma_wait3A_198 = tpu.memref_slice %arg4[%mul3A_4, %dma_wait3A_197] : memref<3276800x128xf32, #tpu.memory_space<hbm>> -> memref<128x128xf32, #tpu.memory_space<hbm>>
    %dma_wait3A_199 = arith.constant 0 : i32
    %dma_wait3A_200 = tpu.memref_slice %arg4[%mul3A_4, %dma_wait3A_199] : memref<3276800x128xf32, #tpu.memory_space<hbm>> -> memref<128x128xf32, #tpu.memory_space<hbm>>
    tpu.wait_dma2 semaphore(%arg29 : memref<!tpu.dma_semaphore, #tpu.memory_space<semaphore_mem>>) src(%arg13 : memref<128x128xf32, #tpu.memory_space<vmem>>) dst(%dma_wait3A_200 : memref<128x128xf32, #tpu.memory_space<hbm>>)
    return
  }
}

</mosaic_0001>

<sc_bundles>
// kernel: kernel.3.cloned.1.call-start
scs
__scs_entry_jumppad:
0x0: {  	(pc) =	sbr.rel $0x88, $3  }
0x1: {  	(tag) =	ssettag $0x0;
	lr =	simm.s32 $0x1  }
0x2: {  	[smem:$0x3F9F] =	sst lr;
	_ =	strace $0xD0000000  }
0x3: {  	_ = 	snop  }
0x4: {  	_ = 	snop  }
0x5: {  	_ = 	snop  }
0x6: {  	_ = 	snop  }
0x7: {  	_ = 	snop  }
__scs_overlays_trampoline_lowered:
0x8: {  	[smem:$0x3FAE] =	sst s0  }
0x9: {  	[smem:$0x3FAF] =	sst s1  }
0xa: {  	[smem:$0x3FB0] =	sst s2  }
0xb: {  	[smem:$0x3FB1] =	sst s3  }
0xc: {  	[smem:$0x3FB2] =	sst s4  }
0xd: {  	[smem:$0x3FB3] =	sst s5  }
0xe: {  	[smem:$0x3FB4] =	sst s6  }
0xf: {  	[smem:$0x3FB5] =	sst s7  }
0x10: {  	[smem:$0x3FB6] =	sst s8  }
0x11: {  	[smem:$0x3FB7] =	sst s9;
	s0 =	simm.s32 @!p0 $0x0  }
0x12: {  	s1 =	sld [smem:$0x3F9D];
	s0 =	simm.s32 @p0 $0x1  }
0x13: {  	[smem:$0x3FB8] =	sst s0;
	s0 =	simm.s32 @!p1 $0x0  }
0x14: {  	s2 =	sld [smem:$0x3F9C];
	s0 =	simm.s32 @p1 $0x1  }
0x15: {  	[smem:$0x3FB9] =	sst s0;
	s0 =	simm.s32 @!p2 $0x0  }
0x16: {  	s3 =	sld [smem:$0x3FDB];
	s0 =	simm.s32 @p2 $0x1  }
0x17: {  	s4 =	simm.s32 $0x1BF5;
	[smem:$0x3FBB] =	sst s0  }
0x18: {  	s0 =	sld [smem:$0x3F9E];
	_ =	swait.ge [sflag:s4], $0x0  }
0x19: {  	s7 =	sld [smem:$0x3F9F]  }
0x1a: {  	s8 =	sadd.s32 $0xFFFFE003, lr  }
0x1b: {  	s9 =	sadd.s32 $0xFFFFFEF7, lr;
	s5 =	simm.s32 $0xFFFFFFFF;
	p2 =	slt.u32 s8, $0xFFFFF086  }
0x1c: {  	p1 =	slt.u32 s9, $0xF7A;
	s5 =	simm.s32 @!p2 $0x0  }
0x1d: {  	s5 =	simm.s32 @p1 $0x1;
	p0 =	seq.s32 s7, s2  }
0x1e: {  	s7 =	smul.u32 @!p0 $0xF7A, s2;
	p2 =	seq.s32 @!p0 s5, $0x0  }
0x1f: {  	s9 =	smul.u32 $0xF7A, s1;
	s8 =	simm.s32 @!p0 $0x1BF5;
	p2 =	por !p2, p0  }
0x20: {  	[sflag:s8] =	ssyncset.s32 @!p0 $0xFFFFF086;
	s6 =	sadd.s32 @!p0 s3, s7;
	s7 =	simm.s32 @!p0 $0x108  }
0x21: {  	s3 =	sadd.s32 s3, s9;
	s6 =	sadd.s32 @!p0 $0x88, s6;
	s7 =	simm.s32 @p2 $0x1082  }
0x22: {  	[simem:s7], [sflag:s8] =	dma.local @!p0 [hbm:s6], $0xF7A  }
0x23: {  	s9 =	sor.u32 $0xD0000000, s2;
	s6 =	simm.s32 $0x108;
	_ =	swait.ge @!p0 [sflag:s8], $0x0  }
0x24: {  	s3 =	sadd.s32 $0x88, s3;
	s6 =	simm.s32 @!p1 $0x1082;
	[sflag:s4] =	ssyncset.s32 $0xFFFFF086  }
0x25: {  	[simem:s6], [sflag:s4] =	dma.local [hbm:s3], $0xF7A  }
0x26: {  	[smem:$0x3F9F] =	sst s1;
	(tag) =	ssettag s2;
	_ =	strace s9  }
0x27: {  	s1 =	sld [smem:$0x3FAF]  }
0x28: {  	s2 =	sld [smem:$0x3FB0]  }
0x29: {  	s4 =	sld [smem:$0x3FB2]  }
0x2a: {  	p0 =	seq.s32 s5, $0x0;
	s5 =	sld [smem:$0x3FB3]  }
0x2b: {  	s6 =	sld [smem:$0x3FB4]  }
0x2c: {  	s7 =	sld [smem:$0x3FB5]  }
0x2d: {  	s3 =	simm.s32 $0x108;
	s8 =	sld [smem:$0x3FB6]  }
0x2e: {  	s3 =	simm.s32 @!p0 $0x1082;
	s9 =	sld [smem:$0x3FB7]  }
0x2f: {  	lr =	sadd.s32 s0, s3;
	s0 =	sld [smem:$0x3FAE]  }
0x30: {  	s3 =	sld [smem:$0x3FB1]  }
0x31: {  	[smem:$0x3FBA] =	sst s10  }
0x32: {  	s10 =	sld [smem:$0x3FB8];
	_ =	sdelay $0x3  }
0x33: {  	p0 =	seq.s32 s10, $0x1;
	s10 =	sld [smem:$0x3FBA];
	_ =	sdelay $0x3  }
0x34: {  	[smem:$0x3FBA] =	sst s10  }
0x35: {  	s10 =	sld [smem:$0x3FB9];
	_ =	sdelay $0x3  }
0x36: {  	p1 =	seq.s32 s10, $0x1;
	s10 =	sld [smem:$0x3FBA];
	_ =	sdelay $0x3  }
0x37: {  	[smem:$0x3FBA] =	sst s10  }
0x38: {  	s10 =	sld [smem:$0x3FBB]  }
0x39: {  	_ = 	snop;
	(pc) =	sbr.ind lr, $3  }
0x3a: {  	_ = 	snop  }
0x3b: {  	_ = 	snop  }
0x3c: {  	p2 =	seq.s32 s10, $0x1;
	s10 =	sld [smem:$0x3FBA]  }
0x3d: {  	_ =	shalt  }
0x3e: {  	_ =	shalt  }
0x3f: {  	_ =	shalt  }
0x40: {  	_ =	shalt  }
0x41: {  	_ =	shalt  }
0x42: {  	_ =	shalt  }
0x43: {  	_ =	shalt  }
0x44: {  	_ =	shalt  }
0x45: {  	_ =	shalt  }
0x46: {  	_ =	shalt  }
0x47: {  	_ =	shalt  }
0x48: {  	_ =	shalt  }
0x49: {  	_ =	shalt  }
0x4a: {  	_ =	shalt  }
0x4b: {  	_ =	shalt  }
0x4c: {  	_ =	shalt  }
0x4d: {  	_ =	shalt  }
0x4e: {  	_ =	shalt  }
0x4f: {  	_ =	shalt  }
0x50: {  	_ =	shalt  }
0x51: {  	_ =	shalt  }
0x52: {  	_ =	shalt  }
0x53: {  	_ =	shalt  }
0x54: {  	_ =	shalt  }
0x55: {  	_ =	shalt  }
0x56: {  	_ =	shalt  }
0x57: {  	_ =	shalt  }
0x58: {  	_ =	shalt  }
0x59: {  	_ =	shalt  }
0x5a: {  	_ =	shalt  }
0x5b: {  	_ =	shalt  }
0x5c: {  	_ =	shalt  }
0x5d: {  	_ =	shalt  }
0x5e: {  	_ =	shalt  }
0x5f: {  	_ =	shalt  }
0x60: {  	_ =	shalt  }
0x61: {  	_ =	shalt  }
0x62: {  	_ =	shalt  }
0x63: {  	_ =	shalt  }
0x64: {  	_ =	shalt  }
0x65: {  	_ =	shalt  }
0x66: {  	_ =	shalt  }
0x67: {  	_ =	shalt  }
0x68: {  	_ =	shalt  }
0x69: {  	_ =	shalt  }
0x6a: {  	_ =	shalt  }
0x6b: {  	_ =	shalt  }
0x6c: {  	_ =	shalt  }
0x6d: {  	_ =	shalt  }
0x6e: {  	_ =	shalt  }
0x6f: {  	_ =	shalt  }
0x70: {  	_ =	shalt  }
0x71: {  	_ =	shalt  }
0x72: {  	_ =	shalt  }
0x73: {  	_ =	shalt  }
0x74: {  	_ =	shalt  }
0x75: {  	_ =	shalt  }
0x76: {  	_ =	shalt  }
0x77: {  	_ =	shalt  }
0x78: {  	_ =	shalt  }
0x79: {  	_ =	shalt  }
0x7a: {  	_ =	shalt  }
0x7b: {  	_ =	shalt  }
0x7c: {  	_ =	shalt  }
0x7d: {  	_ =	shalt  }
0x7e: {  	_ =	shalt  }
0x7f: {  	_ =	shalt  }
0x80: {  	_ =	shalt  }
0x81: {  	_ =	shalt  }
0x82: {  	_ =	shalt  }
0x83: {  	_ =	shalt  }
0x84: {  	_ =	shalt  }
0x85: {  	_ =	shalt  }
0x86: {  	_ =	shalt  }
0x87: {  	_ =	shalt  }
.Lfunc_end0:
.L_simem_size_0:
called_computation_lowered:
.L_overlay_start_0:
0x88: {  	s2 =	sld [smem:$0x3FD9]  }
0x89: {  	s3 =	sld [smem:$0x3FFE];
	_ =	sdelay $0x1  }
0x8a: {  	s1 =	srdreg.scid  }
0x8b: {  	s0 =	sand.u32 $0x1, s1  }
0x8c: {  	s17 =	sshll.u32 s0, $0xA;
	s2 =	sadd.s32 s3, s2  }
0x8d: {  	s2 =	sadd.s32 s2, s17  }
0x8e: {  	[smem:$0x3FC6] =	sst s2  }
0x8f: {  	_ = 	snop  }
0x90: {  	s2 =	sld [smem:$0x3FC8]  }
0x91: {  	s18 =	sld [smem:$0x3FD0];
	(tm) =	ssettm $0x1  }
0x92: {  	s4 =	sld [smem:$0x3FFB];
	_ =	sdelay $0x3  }
0x93: {  	_ =	strace s4  }
0x94: {  	s4 =	sld [smem:$0x3FFC];
	_ =	sdelay $0x3  }
0x95: {  	_ =	strace s4  }
0x96: {  	s4 =	sld [smem:$0x3FFD];
	_ =	sdelay $0x3  }
0x97: {  	_ =	strace s4  }
0x98: {  	_ =	strace $0x8FFFFFFF  }
0x99: {  	s19 =	sld [smem:$0x3FDB];
	_ =	sdelay $0x1  }
0x9a: {  	s5 =	simm.s32 $_scs_section_size  }
0x9b: {  	s6 =	simm.s32 $_size__tile_overlayer_lowered;
	s7 =	simm.s32 $_tile_overlayer_lowered  }
0x9c: {  	s22 =	simm.s32 $0x1BFF;
	s21 =	sshll.u32 s7, $0x1;
	s4 =	sadd.s32 s5, s19  }
0x9d: {  	s8 =	simm.s32 $0x0;
	s20 =	sshll.u32 s6, $0x1;
	s6 =	sadd.s32 s21, s4  }
0x9e: {  	[timem:s8], [sflag:s22] =	dma.local [hbm:s6], s20  }
0x9f: {  	_ =	swait.ge [sflag:s22], s20  }
0xa0: {  	s5 =	ssub.s32 $0x0, s20;
	[sflag:s22] =	ssyncset.done $0x0  }
0xa1: {  	[sflag:s22] =	ssyncadd.s32 s5;
	_ =	sdelay $0x1  }
0xa2: {  	s23 =	simm.s32 $0x1B8B  }
0xa3: {  	_ =	swait.ge [sflag:s23], $0x1  }
0xa4: {  	[sflag:s23] =	ssyncset.done $0x0  }
0xa5: {  	s25 =	simm.s32 $0x1B8E;
	s24 =	sld [smem:$0x3FFE];
	[sflag:s23] =	ssyncadd.s32 $0xFFFFFFFF  }
0xa6: {  	s26 =	simm.s32 $execute0_lowered;
	[smem:$0x3FD2] =	sst s25  }
0xa7: {  	s6 =	sshll.u32 s26, $0x1;
	_ =	strace $0x80000046;
	[dreg:$0x1] =	wrdreg $0xFFFFFFFF  }
0xa8: {  	s28 =	simm.s32 $_size_execute0_lowered;
	s4 =	sadd.s32 s4, s6;
	[dreg:$0x0] =	wrdreg $0x0  }
0xa9: {  	s6 =	sshll.u32 s28, $0x1;
	[dreg:$0x2] =	wrdreg s4  }
0xaa: {  	[dreg:$0x3] =	wrdreg s6  }
0xab: {  	[dreg:$0x4] =	wrdreg $0xC0  }
0xac: {  	_ =	task [dreg:s8], $0x5FFFF  }
0xad: {  	[dreg:$0x1] =	wrdreg $0xFFFFFFFF  }
0xae: {  	[dreg:$0x0] =	wrdreg $0x60  }
0xaf: {  	[dreg:$0x2] =	wrdreg s2  }
0xb0: {  	[dreg:$0x3] =	wrdreg s24  }
0xb1: {  	[dreg:$0x4] =	wrdreg s18  }
0xb2: {  	[dreg:$0x5] =	wrdreg $0x18C000  }
0xb3: {  	[dreg:$0x6] =	wrdreg $0x9  }
0xb4: {  	_ =	task.clear_ibuf [dreg:s8], $0x7FFFF;
	_ =	strace $0x90000046  }
0xb5: {  	s29 =	simm.s32 $0x9;
	_ =	strace $0x80000048  }
0xb6: {  	_ =	swait.ge [sflag:s29], $0x1  }
0xb7: {  	[sflag:s29] =	ssyncadd.s32 $0xFFFFFFFF  }
0xb8: {  	_ =	strace $0x90000048  }
0xb9: {  	_ =	sfence  }
0xba: {  	s30 =	sld [smem:$0x0];
	_ =	sdelay $0x2  }
0xbb: {  	s31 =	sshll.u32 s1, $0xD;
	s1 =	sshrl.u32 s1, $0x2  }
0xbc: {  	s3 =	sand.u32 $0x4000, s31;
	s1 =	sadd.s32 s1, s30  }
0xbd: {  	s0 =	sor.u32 s3, s0;
	s1 =	sshll.u32 s1, $0x11  }
0xbe: {  	s0 =	sor.u32 s1, s0  }
0xbf: {  	s0 =	sadd.s32 $0x8F2B, s0  }
0xc0: {  	[sflag:s0] =	ssyncadd.remote.s32 $0x1  }
0xc1: {  	_ =	sfence.sel $0xFFFF  }
0xc2: {  	[dreg:$0x0] =	wrdreg $0xFFFFFFFF;
	(pc) =	sbr.abs _section_cstart, $3  }
0xc3: {  	[dreg:$0x1] =	wrdreg $0xFFFFFFFF  }
0xc4: {  	_ =	task.clear_ibuf [dreg:s8], $0x2FFFF;
	_ =	strace $0x9FFFFFFF  }
0xc5: {  	(tm) =	ssettm $0x7FFFFFFF  }
tec
execute0_lowered:
.L_overlay_start_1:
0x0: {  	(tag) =	ssettag $0x1  }
0x1: {  	s1 =	rddreg [dreg:$0x1]  }
0x2: {  	s4 =	rddreg [dreg:$0x2]  }
0x3: {  	s2 =	rddreg [dreg:$0x3]  }
0x4: {  	s5 =	srdreg.scid;
	s0 =	stileid.u32;
	s3 =	simm.s32 $0x0  }
0x5: {  	s12 =	simm.s32 $0x500;
	s13 =	simm.s32 $0x580;
	s30 =	simm.s32 $0x180  }
0x6: {  	s28 =	simm.s32 $0xCC00;
	s29 =	simm.s32 $0x5;
	s31 =	simm.s32 $0x10C00  }
0x7: {  	s5 =	sand.u32 $0x1, s5;
	s6 =	sshll.u32 s0, $0x1;
	s16 =	smul.u32 $0x1900000, s0  }
0x8: {  	[smem:$0x7FF] =	sst s3;
	s19 =	sadd.s32 $0x400, s1;
	s22 =	smul.u32 $0x320000, s0  }
0x9: {  	s6 =	sor.u32 s5, s6;
	_ =	strace $0x80000047;
	[dreg:$0xb] =	wrdreg s12  }
0xa: {  	s7 =	ssub.s32 $0x2, s5;
	[dreg:$0xc] =	wrdreg s13;
	s8 =	smul.u32 $0x3200, s6  }
0xb: {  	s9 =	smul.u32 $0x190000, s6;
	s25 =	sadd.s32 s22, s4;
	s22 =	simm.s32 $0x980  }
0xc: {  	s15 =	smul.u32 $0x64, s6;
	[dreg:$0x13] =	wrdreg s22;
	s8 =	sadd.s32 s19, s8  }
0xd: {  	s14 =	sshrl.u32 s7, $0x1;
	s10 =	sadd.s32 s4, s9;
	[dreg:$0x18] =	wrdreg s8  }
0xe: {  	s1 =	ssub.s32 s7, s14;
	s7 =	sadd.s32 $0x4, s15;
	[dreg:$0x1a] =	wrdreg s10  }
0xf: {  	p0 =	sne.s32 s0, $0x0;
	s1 =	smax.u32 s1, $0x1;
	[dreg:$0x5] =	wrdreg s7  }
0x10: {  	s18 =	smul.u32 $0xC80000, s5;
	s15 =	simm.s32 $0x600;
	[smem:$0x7FB] =	sst s1  }
0x11: {  	s24 =	smul.u32 $0x190000, s5;
	s8 =	sadd.s32 $0x80, s8;
	[dreg:$0xd] =	wrdreg s15  }
0x12: {  	s5 =	smul.u32 $0x64, s5;
	s9 =	sadd.s32 $0x800, s10;
	[dreg:$0x19] =	wrdreg s8  }
0x13: {  	s13 =	simm.s32 $0x200;
	s17 =	sadd.s32 $0x1000, s10;
	[dreg:$0x1b] =	wrdreg s9  }
0x14: {  	s6 =	smul.u32 $0xC80000, s6;
	s11 =	sadd.s32 $0x1800, s10;
	[dreg:$0x1c] =	wrdreg s17  }
0x15: {  	s12 =	simm.s32 $0xB;
	s20 =	sadd.s32 $0x2000, s10;
	[dreg:$0x1d] =	wrdreg s11  }
0x16: {  	s6 =	sshrl.u32 s6, $0x3;
	s10 =	sadd.s32 $0x2800, s10;
	[dreg:$0x1e] =	wrdreg s20  }
0x17: {  	s6 =	sadd.s32 s4, s6;
	s1 =	sshrl.u32 @!p0 s2, $0x3;
	[dreg:$0x1f] =	wrdreg s10  }
0x18: {  	s22 =	simm.s32 $0x4C00;
	s23 =	sadd.s32 $0x18F000, s6;
	[smem:$0x7FD] =	sst s1  }
0x19: {  	s15 =	simm.s32 $0x100;
	s6 =	sadd.s32 $0x18F800, s6;
	[smem:$0x7F9] =	sst s23  }
0x1a: {  	s8 =	sadd.s32 s18, s16;
	s11 =	simm.s32 $0x480;
	[smem:$0x7FA] =	sst s6  }
0x1b: {  	s10 =	smul.u32 $0xC8, s0;
	s16 =	simm.s32 $0x680;
	[dreg:$0xa] =	wrdreg s11  }
0x1c: {  	s17 =	simm.s32 $0x700;
	s18 =	simm.s32 $0x780;
	[dreg:$0xe] =	wrdreg s16  }
0x1d: {  	s20 =	simm.s32 $0x880;
	s0 =	simm.s32 $0x6;
	[dreg:$0xf] =	wrdreg s17  }
0x1e: {  	s21 =	sor.u32 $0x60000, s8;
	s26 =	sor.u32 $0x40000, s8;
	[dreg:$0x10] =	wrdreg s18  }
0x1f: {  	s8 =	sor.u32 $0x20000, s8;
	[dreg:$0x11] =	wrdreg s20;
	s18 =	simm.s32 $0x400  }
0x20: {  	s23 =	simm.s32 $0xA00;
	s20 =	simm.s32 $0x80;
	s6 =	simm.s32 $0x14C00  }
0x21: {  	s11 =	simm.s32 $0x8;
	s17 =	simm.s32 $0xC;
	s16 =	simm.s32 $0xE  }
0x22: {  	s7 =	sshrl.u32 s21, $0x3;
	s9 =	sshrl.u32 s26, $0x3;
	s8 =	sshrl.u32 s8, $0x3  }
0x23: {  	s14 =	sadd.s32 s5, s10;
	s21 =	simm.s32 $0x900;
	[dreg:$0x14] =	wrdreg s23  }
0x24: {  	s26 =	simm.s32 $0xB80;
	s5 =	simm.s32 $0x9;
	[dreg:$0x12] =	wrdreg s21  }
0x25: {  	s23 =	simm.s32 $0xF;
	s7 =	sadd.s32 s7, s4;
	[dreg:$0x17] =	wrdreg s26  }
0x26: {  	s9 =	sadd.s32 s9, s4;
	s4 =	sadd.s32 s8, s4;
	[dreg:$0x6] =	wrdreg s7  }
0x27: {  	s21 =	simm.s32 $0xC00;
	s8 =	simm.s32 $0x7;
	[dreg:$0x8] =	wrdreg s9  }
0x28: {  	s26 =	simm.s32 $0x3;
	s7 =	sadd.s32 s24, s25;
	[dreg:$0x9] =	wrdreg s4  }
0x29: {  	s4 =	sshll.u32 s14, $0x7;
	s24 =	simm.s32 $0xA80;
	[dreg:$0x7] =	wrdreg s7  }
0x2a: {  	s14 =	simm.s32 $0x1;
	s25 =	simm.s32 $0xB00;
	[dreg:$0x15] =	wrdreg s24  }
0x2b: {  	s9 =	simm.s32 $0xA;
	s4 =	sadd.s32 s4, s19;
	[dreg:$0x16] =	wrdreg s25  }
0x2c: {  	s24 =	simm.s32 $0x8C00;
	s25 =	simm.s32 $0x4;
	s4 =	sadd.s32 $0x180, s4  }
0x2d: {  	s7 =	simm.s32 $0xD;
	[smem:$0x7FC] =	sst s4;
	s4 =	simm.s32 $0x0  }
.LBB2_1:
0x2e: {  	s10 =	sld [smem:$0x7FD]  }
0x2f: {  	[smem:$0x7F8] =	sst s4  }
0x30: {  	s1 =	simm.s32 @!p0 $0x1C10;
	s4 =	rddreg [dreg:$0x0]  }
0x31: {  	[spmem:s10], [sflag:s1] =	dma.local @!p0 [hbm:s4], $0x640  }
0x32: {  	s1 =	simm.s32 @!p0 $0x10  }
0x33: {  	_ =	swait.ge @!p0 [sflag:s1], $0x640  }
0x34: {  	[sflag:s1] =	ssyncset.done @!p0 $0x0  }
0x35: {  	[sflag:s1] =	ssyncadd.s32 @!p0 $0xFFFFF9C0  }
0x36: {  	[bflag:$0x0] =	sbarrier.arrive $0xFFFF  }
0x37: {  	s10 =	rddreg [dreg:$0x18]  }
0x38: {  	[tilespmem:s3], [sflag:$0x1] =	stream.linear.gather [hbm4b:s10+s3], $0x400, $0x38;
	[tilespmem:$0x18F20] =	vst v63  }
0x39: {  	_ =	swait.ge [sflag:s14], $0x400  }
0x3a: {  	[sflag:s14] =	ssyncset.done $0x0  }
0x3b: {  	s4 =	rddreg [dreg:$0x19];
	[sflag:s14] =	ssyncadd.s32 $0xFFFFFC00  }
0x3c: {  	[tilespmem:s18], [sflag:$0x2] =	stream.linear.gather [hbm4b:s4+s3], $0x400, $0x38;
	[tilespmem:$0x18F20] =	vst v63  }
0x3d: {  	_ = 	snop  }
0x3e: {  	[tilespmem:s21], [sflag:$0x4] =	stream.indirect.gather [spmem:s2], $0x80, s3, s20, $0xb8;
	[tilespmem:$0x18F20] =	vst v63  }
0x3f: {  	_ = 	snop  }
0x40: {  	[tilespmem:s22], [sflag:$0x5] =	stream.indirect.gather [spmem:s2], $0x80, s20, s20, $0xb8;
	[tilespmem:$0x18F20] =	vst v63  }
0x41: {  	_ = 	snop  }
0x42: {  	[tilespmem:s24], [sflag:$0x6] =	stream.indirect.gather [spmem:s2], $0x80, s15, s20, $0xb8;
	[tilespmem:$0x18F20] =	vst v63  }
0x43: {  	_ =	swait.ge [sflag:s25], $0x4000  }
0x44: {  	[sflag:s25] =	ssyncset.done $0x0  }
0x45: {  	s10 =	rddreg [dreg:$0x1a];
	[sflag:s25] =	ssyncadd.s32 $0xFFFFC000  }
0x46: {  	[hbm4b:s10+s3] =	stream.linear.scatter [tilespmem:s21], [sflag:$0xA], $0x4000, $0x38;
	[tilespmem:$0x18F20] =	vst v63  }
0x47: {  	_ = 	snop  }
0x48: {  	[tilespmem:s28], [sflag:$0x7] =	stream.indirect.gather [spmem:s2], $0x80, s30, s20, $0xb8;
	[tilespmem:$0x18F20] =	vst v63  }
0x49: {  	_ =	swait.ge [sflag:s29], $0x4000  }
0x4a: {  	[sflag:s29] =	ssyncset.done $0x0  }
0x4b: {  	s4 =	rddreg [dreg:$0x1b];
	[sflag:s29] =	ssyncadd.s32 $0xFFFFC000  }
0x4c: {  	[hbm4b:s4+s3] =	stream.linear.scatter [tilespmem:s22], [sflag:$0xB], $0x4000, $0x38;
	[tilespmem:$0x18F20] =	vst v63  }
0x4d: {  	_ = 	snop  }
0x4e: {  	[tilespmem:s31], [sflag:$0x8] =	stream.indirect.gather [spmem:s2], $0x80, s13, s20, $0xb8;
	[tilespmem:$0x18F20] =	vst v63  }
0x4f: {  	_ =	swait.ge [sflag:s0], $0x4000  }
0x50: {  	[sflag:s0] =	ssyncset.done $0x0  }
0x51: {  	s10 =	rddreg [dreg:$0x1c];
	[sflag:s0] =	ssyncadd.s32 $0xFFFFC000  }
0x52: {  	[hbm4b:s10+s3] =	stream.linear.scatter [tilespmem:s24], [sflag:$0xC], $0x4000, $0x38;
	[tilespmem:$0x18F20] =	vst v63  }
0x53: {  	s13 =	simm.s32 $0x280  }
0x54: {  	[tilespmem:s6], [sflag:$0x9] =	stream.indirect.gather [spmem:s2], $0x80, s13, s20, $0xb8;
	[tilespmem:$0x18F20] =	vst v63  }
0x55: {  	_ =	swait.ge [sflag:s8], $0x4000  }
0x56: {  	[sflag:s8] =	ssyncset.done $0x0  }
0x57: {  	s4 =	rddreg [dreg:$0x1d];
	[sflag:s8] =	ssyncadd.s32 $0xFFFFC000  }
0x58: {  	[hbm4b:s4+s3] =	stream.linear.scatter [tilespmem:s28], [sflag:$0xD], $0x4000, $0x38;
	[tilespmem:$0x18F20] =	vst v63  }
0x59: {  	_ =	swait.ge [sflag:s9], $0x4000  }
0x5a: {  	[sflag:s9] =	ssyncset.done $0x0  }
0x5b: {  	s10 =	simm.s32 $0x300;
	[sflag:s9] =	ssyncadd.s32 $0xFFFFC000  }
0x5c: {  	[tilespmem:s21], [sflag:$0x4] =	stream.indirect.gather [spmem:s2], $0x80, s10, s20, $0xb8;
	[tilespmem:$0x18F20] =	vst v63  }
0x5d: {  	_ =	swait.ge [sflag:s11], $0x4000  }
0x5e: {  	[sflag:s11] =	ssyncset.done $0x0  }
0x5f: {  	s13 =	rddreg [dreg:$0x1e];
	[sflag:s11] =	ssyncadd.s32 $0xFFFFC000  }
0x60: {  	[hbm4b:s13+s3] =	stream.linear.scatter [tilespmem:s31], [sflag:$0xE], $0x4000, $0x38;
	[tilespmem:$0x18F20] =	vst v63  }
0x61: {  	_ =	swait.ge [sflag:s12], $0x4000  }
0x62: {  	[sflag:s12] =	ssyncset.done $0x0  }
0x63: {  	s4 =	simm.s32 $0x380;
	[sflag:s12] =	ssyncadd.s32 $0xFFFFC000  }
0x64: {  	[tilespmem:s22], [sflag:$0x5] =	stream.indirect.gather [spmem:s2], $0x80, s4, s20, $0xb8;
	[tilespmem:$0x18F20] =	vst v63  }
0x65: {  	_ =	swait.ge [sflag:s5], $0x4000  }
0x66: {  	[sflag:s5] =	ssyncset.done $0x0  }
0x67: {  	s13 =	simm.s32 $0x2;
	s10 =	rddreg [dreg:$0x1f];
	[sflag:s5] =	ssyncadd.s32 $0xFFFFC000  }
0x68: {  	[hbm4b:s10+s3] =	stream.linear.scatter [tilespmem:s6], [sflag:$0xF], $0x4000, $0x38;
	[tilespmem:$0x18F20] =	vst v63  }
0x69: {  	_ =	swait.ge [sflag:s13], $0x400  }
0x6a: {  	[sflag:s13] =	ssyncset.done $0x0  }
0x6b: {  	[sflag:s13] =	ssyncadd.s32 $0xFFFFFC00;
	s13 =	sld [smem:$0x7FC];
	_ =	sdelay $0x2  }
0x6c: {  	s10 =	simm.s32 $0x800;
	s4 =	sadd.s32 $0xFFFFFF80, s13  }
0x6d: {  	[tilespmem:s10], [sflag:$0x3] =	stream.linear.gather [hbm4b:s4+s3], $0x400, $0x38;
	[tilespmem:$0x18F20] =	vst v63  }
0x6e: {  	_ =	swait.ge [sflag:s17], $0x4000  }
0x6f: {  	[sflag:s17] =	ssyncset.done $0x0  }
0x70: {  	[sflag:s17] =	ssyncadd.s32 $0xFFFFC000  }
0x71: {  	[tilespmem:s24], [sflag:$0x6] =	stream.indirect.gather [spmem:s2], $0x80, s18, s20, $0xb8;
	[tilespmem:$0x18F20] =	vst v63  }
0x72: {  	_ =	swait.ge [sflag:s25], $0x4000  }
0x73: {  	s4 =	rddreg [dreg:$0x7]  }
0x74: {  	[sflag:s25] =	ssyncset.done $0x0;
	s4 =	sadd.s32 $0x0, s4  }
0x75: {  	[sflag:s25] =	ssyncadd.s32 $0xFFFFC000;
	s1 =	sadd.s32 $0x3000, s4  }
0x76: {  	[hbm4b:s1+s3] =	stream.linear.scatter [tilespmem:s21], [sflag:$0xA], $0x4000, $0x38;
	[tilespmem:$0x18F20] =	vst v63  }
0x77: {  	_ =	swait.ge [sflag:s7], $0x4000  }
0x78: {  	[sflag:s7] =	ssyncset.done $0x0  }
0x79: {  	s1 =	rddreg [dreg:$0xa];
	[sflag:s7] =	ssyncadd.s32 $0xFFFFC000  }
0x7a: {  	[tilespmem:s28], [sflag:$0x7] =	stream.indirect.gather [spmem:s2], $0x80, s1, s20, $0xb8;
	[tilespmem:$0x18F20] =	vst v63  }
0x7b: {  	_ =	swait.ge [sflag:s29], $0x4000  }
0x7c: {  	[sflag:s29] =	ssyncset.done $0x0  }
0x7d: {  	s1 =	sadd.s32 $0x3800, s4;
	[sflag:s29] =	ssyncadd.s32 $0xFFFFC000  }
0x7e: {  	[hbm4b:s1+s3] =	stream.linear.scatter [tilespmem:s22], [sflag:$0xB], $0x4000, $0x38;
	[tilespmem:$0x18F20] =	vst v63  }
0x7f: {  	_ =	swait.ge [sflag:s16], $0x4000  }
0x80: {  	[sflag:s16] =	ssyncset.done $0x0  }
0x81: {  	s1 =	rddreg [dreg:$0xb];
	[sflag:s16] =	ssyncadd.s32 $0xFFFFC000  }
0x82: {  	[tilespmem:s31], [sflag:$0x8] =	stream.indirect.gather [spmem:s2], $0x80, s1, s20, $0xb8;
	[tilespmem:$0x18F20] =	vst v63  }
0x83: {  	_ =	swait.ge [sflag:s0], $0x4000  }
0x84: {  	s1 =	rddreg [dreg:$0x9];
	[sflag:s0] =	ssyncset.done $0x0  }
0x85: {  	[sflag:s0] =	ssyncadd.s32 $0xFFFFC000;
	s1 =	sadd.s32 $0x0, s1  }
0x86: {  	[hbm4b:s1+s3] =	stream.linear.scatter [tilespmem:s24], [sflag:$0xC], $0x4000, $0x38;
	[tilespmem:$0x18F20] =	vst v63  }
0x87: {  	_ =	swait.ge [sflag:s23], $0x4000  }
0x88: {  	[sflag:s23] =	ssyncset.done $0x0  }
0x89: {  	s1 =	rddreg [dreg:$0xc];
	[sflag:s23] =	ssyncadd.s32 $0xFFFFC000  }
0x8a: {  	[tilespmem:s6], [sflag:$0x9] =	stream.indirect.gather [spmem:s2], $0x80, s1, s20, $0xb8;
	[tilespmem:$0x18F20] =	vst v63  }
0x8b: {  	_ =	swait.ge [sflag:s8], $0x4000  }
0x8c: {  	[sflag:s8] =	ssyncset.done $0x0  }
0x8d: {  	s1 =	sadd.s32 $0x4800, s4;
	[sflag:s8] =	ssyncadd.s32 $0xFFFFC000  }
0x8e: {  	[hbm4b:s1+s3] =	stream.linear.scatter [tilespmem:s28], [sflag:$0xD], $0x4000, $0x38;
	[tilespmem:$0x18F20] =	vst v63  }
0x8f: {  	_ =	swait.ge [sflag:s9], $0x4000  }
0x90: {  	[sflag:s9] =	ssyncset.done $0x0  }
0x91: {  	s1 =	rddreg [dreg:$0xd];
	[sflag:s9] =	ssyncadd.s32 $0xFFFFC000  }
0x92: {  	[tilespmem:s21], [sflag:$0x4] =	stream.indirect.gather [spmem:s2], $0x80, s1, s20, $0xb8;
	[tilespmem:$0x18F20] =	vst v63  }
0x93: {  	_ =	swait.ge [sflag:s11], $0x4000  }
0x94: {  	[sflag:s11] =	ssyncset.done $0x0  }
0x95: {  	s1 =	sadd.s32 $0x5000, s4;
	[sflag:s11] =	ssyncadd.s32 $0xFFFFC000  }
0x96: {  	[hbm4b:s1+s3] =	stream.linear.scatter [tilespmem:s31], [sflag:$0xE], $0x4000, $0x38;
	[tilespmem:$0x18F20] =	vst v63  }
0x97: {  	_ =	swait.ge [sflag:s12], $0x4000  }
0x98: {  	[sflag:s12] =	ssyncset.done $0x0  }
0x99: {  	s1 =	rddreg [dreg:$0xe];
	[sflag:s12] =	ssyncadd.s32 $0xFFFFC000  }
0x9a: {  	[tilespmem:s22], [sflag:$0x5] =	stream.indirect.gather [spmem:s2], $0x80, s1, s20, $0xb8;
	[tilespmem:$0x18F20] =	vst v63  }
0x9b: {  	_ =	swait.ge [sflag:s5], $0x4000  }
0x9c: {  	[sflag:s5] =	ssyncset.done $0x0  }
0x9d: {  	s1 =	sadd.s32 $0x5800, s4;
	[sflag:s5] =	ssyncadd.s32 $0xFFFFC000  }
0x9e: {  	[hbm4b:s1+s3] =	stream.linear.scatter [tilespmem:s6], [sflag:$0xF], $0x4000, $0x38;
	[tilespmem:$0x18F20] =	vst v63  }
0x9f: {  	_ =	swait.ge [sflag:s17], $0x4000  }
0xa0: {  	[sflag:s17] =	ssyncset.done $0x0  }
0xa1: {  	s1 =	rddreg [dreg:$0xf];
	[sflag:s17] =	ssyncadd.s32 $0xFFFFC000  }
0xa2: {  	[tilespmem:s24], [sflag:$0x6] =	stream.indirect.gather [spmem:s2], $0x80, s1, s20, $0xb8;
	[tilespmem:$0x18F20] =	vst v63  }
0xa3: {  	_ =	swait.ge [sflag:s25], $0x4000  }
0xa4: {  	[sflag:s25] =	ssyncset.done $0x0  }
0xa5: {  	s1 =	sadd.s32 $0x6000, s4;
	[sflag:s25] =	ssyncadd.s32 $0xFFFFC000  }
0xa6: {  	[hbm4b:s1+s3] =	stream.linear.scatter [tilespmem:s21], [sflag:$0xA], $0x4000, $0x38;
	[tilespmem:$0x18F20] =	vst v63  }
0xa7: {  	_ =	swait.ge [sflag:s7], $0x4000  }
0xa8: {  	[sflag:s7] =	ssyncset.done $0x0  }
0xa9: {  	s1 =	rddreg [dreg:$0x10];
	[sflag:s7] =	ssyncadd.s32 $0xFFFFC000  }
0xaa: {  	[tilespmem:s28], [sflag:$0x7] =	stream.indirect.gather [spmem:s2], $0x80, s1, s20, $0xb8;
	[tilespmem:$0x18F20] =	vst v63  }
0xab: {  	_ =	swait.ge [sflag:s29], $0x4000  }
0xac: {  	[sflag:s29] =	ssyncset.done $0x0  }
0xad: {  	s1 =	sadd.s32 $0x6800, s4;
	[sflag:s29] =	ssyncadd.s32 $0xFFFFC000  }
0xae: {  	[hbm4b:s1+s3] =	stream.linear.scatter [tilespmem:s22], [sflag:$0xB], $0x4000, $0x38;
	[tilespmem:$0x18F20] =	vst v63  }
0xaf: {  	_ =	swait.ge [sflag:s26], $0x400  }
0xb0: {  	[sflag:s26] =	ssyncset.done $0x0  }
0xb1: {  	[sflag:s26] =	ssyncadd.s32 $0xFFFFFC00  }
0xb2: {  	[tilespmem:s3], [sflag:$0x1] =	stream.linear.gather [hbm4b:s13+s3], $0x400, $0x38;
	[tilespmem:$0x18F20] =	vst v63  }
0xb3: {  	_ =	swait.ge [sflag:s16], $0x4000  }
0xb4: {  	[sflag:s16] =	ssyncset.done $0x0  }
0xb5: {  	[sflag:s16] =	ssyncadd.s32 $0xFFFFC000  }
0xb6: {  	[tilespmem:s31], [sflag:$0x8] =	stream.indirect.gather [spmem:s2], $0x80, s10, s20, $0xb8;
	[tilespmem:$0x18F20] =	vst v63  }
0xb7: {  	_ =	swait.ge [sflag:s0], $0x4000  }
0xb8: {  	[sflag:s0] =	ssyncset.done $0x0  }
0xb9: {  	s10 =	sadd.s32 $0x7000, s4;
	[sflag:s0] =	ssyncadd.s32 $0xFFFFC000  }
0xba: {  	[hbm4b:s10+s3] =	stream.linear.scatter [tilespmem:s24], [sflag:$0xC], $0x4000, $0x38;
	[tilespmem:$0x18F20] =	vst v63  }
0xbb: {  	_ =	swait.ge [sflag:s23], $0x4000  }
0xbc: {  	[sflag:s23] =	ssyncset.done $0x0  }
0xbd: {  	s10 =	rddreg [dreg:$0x11];
	[sflag:s23] =	ssyncadd.s32 $0xFFFFC000  }
0xbe: {  	[tilespmem:s6], [sflag:$0x9] =	stream.indirect.gather [spmem:s2], $0x80, s10, s20, $0xb8;
	[tilespmem:$0x18F20] =	vst v63  }
0xbf: {  	_ =	swait.ge [sflag:s8], $0x4000  }
0xc0: {  	[sflag:s8] =	ssyncset.done $0x0  }
0xc1: {  	s10 =	sadd.s32 $0x7800, s4;
	[sflag:s8] =	ssyncadd.s32 $0xFFFFC000  }
0xc2: {  	[hbm4b:s10+s3] =	stream.linear.scatter [tilespmem:s28], [sflag:$0xD], $0x4000, $0x38;
	[tilespmem:$0x18F20] =	vst v63  }
0xc3: {  	_ =	swait.ge [sflag:s9], $0x4000  }
0xc4: {  	[sflag:s9] =	ssyncset.done $0x0  }
0xc5: {  	s10 =	rddreg [dreg:$0x12];
	[sflag:s9] =	ssyncadd.s32 $0xFFFFC000  }
0xc6: {  	[tilespmem:s21], [sflag:$0x4] =	stream.indirect.gather [spmem:s2], $0x80, s10, s20, $0xb8;
	[tilespmem:$0x18F20] =	vst v63  }
0xc7: {  	_ =	swait.ge [sflag:s11], $0x4000  }
0xc8: {  	s10 =	rddreg [dreg:$0x8];
	[sflag:s11] =	ssyncset.done $0x0  }
0xc9: {  	[sflag:s11] =	ssyncadd.s32 $0xFFFFC000;
	s1 =	sadd.s32 $0x0, s10  }
0xca: {  	[hbm4b:s1+s3] =	stream.linear.scatter [tilespmem:s31], [sflag:$0xE], $0x4000, $0x38;
	[tilespmem:$0x18F20] =	vst v63  }
0xcb: {  	_ =	swait.ge [sflag:s12], $0x4000  }
0xcc: {  	[sflag:s12] =	ssyncset.done $0x0  }
0xcd: {  	s10 =	rddreg [dreg:$0x13];
	[sflag:s12] =	ssyncadd.s32 $0xFFFFC000  }
0xce: {  	[tilespmem:s22], [sflag:$0x5] =	stream.indirect.gather [spmem:s2], $0x80, s10, s20, $0xb8;
	[tilespmem:$0x18F20] =	vst v63  }
0xcf: {  	_ =	swait.ge [sflag:s5], $0x4000  }
0xd0: {  	[sflag:s5] =	ssyncset.done $0x0  }
0xd1: {  	s10 =	sadd.s32 $0x8800, s4;
	[sflag:s5] =	ssyncadd.s32 $0xFFFFC000  }
0xd2: {  	[hbm4b:s10+s3] =	stream.linear.scatter [tilespmem:s6], [sflag:$0xF], $0x4000, $0x38;
	[tilespmem:$0x18F20] =	vst v63  }
0xd3: {  	_ =	swait.ge [sflag:s17], $0x4000  }
0xd4: {  	[sflag:s17] =	ssyncset.done $0x0  }
0xd5: {  	s10 =	rddreg [dreg:$0x14];
	[sflag:s17] =	ssyncadd.s32 $0xFFFFC000  }
0xd6: {  	[tilespmem:s24], [sflag:$0x6] =	stream.indirect.gather [spmem:s2], $0x80, s10, s20, $0xb8;
	[tilespmem:$0x18F20] =	vst v63  }
0xd7: {  	_ =	swait.ge [sflag:s25], $0x4000  }
0xd8: {  	[sflag:s25] =	ssyncset.done $0x0  }
0xd9: {  	s10 =	sadd.s32 $0x9000, s4;
	[sflag:s25] =	ssyncadd.s32 $0xFFFFC000  }
0xda: {  	[hbm4b:s10+s3] =	stream.linear.scatter [tilespmem:s21], [sflag:$0xA], $0x4000, $0x38;
	[tilespmem:$0x18F20] =	vst v63  }
0xdb: {  	_ =	swait.ge [sflag:s7], $0x4000  }
0xdc: {  	[sflag:s7] =	ssyncset.done $0x0  }
0xdd: {  	s10 =	rddreg [dreg:$0x15];
	[sflag:s7] =	ssyncadd.s32 $0xFFFFC000  }
0xde: {  	[tilespmem:s28], [sflag:$0x7] =	stream.indirect.gather [spmem:s2], $0x80, s10, s20, $0xb8;
	[tilespmem:$0x18F20] =	vst v63  }
0xdf: {  	_ =	swait.ge [sflag:s29], $0x4000  }
0xe0: {  	[sflag:s29] =	ssyncset.done $0x0  }
0xe1: {  	s10 =	sadd.s32 $0x9800, s4;
	[sflag:s29] =	ssyncadd.s32 $0xFFFFC000  }
0xe2: {  	[hbm4b:s10+s3] =	stream.linear.scatter [tilespmem:s22], [sflag:$0xB], $0x4000, $0x38;
	[tilespmem:$0x18F20] =	vst v63  }
0xe3: {  	_ =	swait.ge [sflag:s16], $0x4000  }
0xe4: {  	[sflag:s16] =	ssyncset.done $0x0  }
0xe5: {  	s10 =	rddreg [dreg:$0x16];
	[sflag:s16] =	ssyncadd.s32 $0xFFFFC000  }
0xe6: {  	[tilespmem:s31], [sflag:$0x8] =	stream.indirect.gather [spmem:s2], $0x80, s10, s20, $0xb8;
	[tilespmem:$0x18F20] =	vst v63  }
0xe7: {  	_ =	swait.ge [sflag:s0], $0x4000  }
0xe8: {  	[sflag:s0] =	ssyncset.done $0x0  }
0xe9: {  	s10 =	sadd.s32 $0xA000, s4;
	[sflag:s0] =	ssyncadd.s32 $0xFFFFC000  }
0xea: {  	[hbm4b:s10+s3] =	stream.linear.scatter [tilespmem:s24], [sflag:$0xC], $0x4000, $0x38;
	[tilespmem:$0x18F20] =	vst v63  }
0xeb: {  	_ =	swait.ge [sflag:s23], $0x4000  }
0xec: {  	[sflag:s23] =	ssyncset.done $0x0  }
0xed: {  	s10 =	rddreg [dreg:$0x17];
	[sflag:s23] =	ssyncadd.s32 $0xFFFFC000  }
0xee: {  	[tilespmem:s6], [sflag:$0x9] =	stream.indirect.gather [spmem:s2], $0x80, s10, s20, $0xb8;
	[tilespmem:$0x18F20] =	vst v63  }
0xef: {  	_ =	swait.ge [sflag:s8], $0x4000  }
0xf0: {  	[sflag:s8] =	ssyncset.done $0x0  }
0xf1: {  	s10 =	sadd.s32 $0xA800, s4;
	[sflag:s8] =	ssyncadd.s32 $0xFFFFC000  }
0xf2: {  	[hbm4b:s10+s3] =	stream.linear.scatter [tilespmem:s28], [sflag:$0xD], $0x4000, $0x38;
	[tilespmem:$0x18F20] =	vst v63  }
0xf3: {  	_ =	swait.ge [sflag:s14], $0x400  }
0xf4: {  	s10 =	smin.u32 s3, $0x5F;
	s1 =	rddreg [dreg:$0x5]  }
0xf5: {  	s1 =	sadd.s32 s10, s1  }
0xf6: {  	[sflag:s14] =	ssyncset.done $0x0;
	s1 =	sshll.u32 s1, $0x7  }
0xf7: {  	[sflag:s14] =	ssyncadd.s32 $0xFFFFFC00;
	s1 =	sadd.s32 s19, s1  }
0xf8: {  	[tilespmem:s18], [sflag:$0x2] =	stream.linear.gather [hbm4b:s1+s3], $0x400, $0x38;
	[tilespmem:$0x18F20] =	vst v63  }
0xf9: {  	_ =	swait.ge [sflag:s9], $0x4000  }
0xfa: {  	[sflag:s9] =	ssyncset.done $0x0  }
0xfb: {  	[sflag:s9] =	ssyncadd.s32 $0xFFFFC000  }
0xfc: {  	[tilespmem:s21], [sflag:$0x4] =	stream.indirect.gather [spmem:s2], $0x80, s3, s20, $0xb8;
	[tilespmem:$0x18F20] =	vst v63  }
0xfd: {  	_ =	swait.ge [sflag:s11], $0x4000  }
0xfe: {  	[sflag:s11] =	ssyncset.done $0x0  }
0xff: {  	s10 =	sadd.s32 $0xB000, s4;
	[sflag:s11] =	ssyncadd.s32 $0xFFFFC000  }
0x100: {  	[hbm4b:s10+s3] =	stream.linear.scatter [tilespmem:s31], [sflag:$0xE], $0x4000, $0x38;
	[tilespmem:$0x18F20] =	vst v63  }
0x101: {  	_ =	swait.ge [sflag:s12], $0x4000  }
0x102: {  	[sflag:s12] =	ssyncset.done $0x0  }
0x103: {  	[sflag:s12] =	ssyncadd.s32 $0xFFFFC000  }
0x104: {  	[tilespmem:s22], [sflag:$0x5] =	stream.indirect.gather [spmem:s2], $0x80, s20, s20, $0xb8;
	[tilespmem:$0x18F20] =	vst v63  }
0x105: {  	_ =	swait.ge [sflag:s5], $0x4000  }
0x106: {  	[sflag:s5] =	ssyncset.done $0x0  }
0x107: {  	s14 =	sadd.s32 $0xB800, s4;
	[sflag:s5] =	ssyncadd.s32 $0xFFFFC000  }
0x108: {  	[hbm4b:s14+s3] =	stream.linear.scatter [tilespmem:s6], [sflag:$0xF], $0x4000, $0x38;
	[tilespmem:$0x18F20] =	vst v63  }
0x109: {  	_ =	swait.ge [sflag:s17], $0x4000  }
0x10a: {  	[sflag:s17] =	ssyncset.done $0x0  }
0x10b: {  	[sflag:s17] =	ssyncadd.s32 $0xFFFFC000  }
0x10c: {  	[tilespmem:s24], [sflag:$0x6] =	stream.indirect.gather [spmem:s2], $0x80, s15, s20, $0xb8;
	[tilespmem:$0x18F20] =	vst v63  }
0x10d: {  	_ =	swait.ge [sflag:s25], $0x4000  }
0x10e: {  	s10 =	rddreg [dreg:$0x6];
	[sflag:s25] =	ssyncset.done $0x0  }
0x10f: {  	[sflag:s25] =	ssyncadd.s32 $0xFFFFC000;
	s1 =	sadd.s32 $0x0, s10  }
0x110: {  	[hbm4b:s1+s3] =	stream.linear.scatter [tilespmem:s21], [sflag:$0xA], $0x4000, $0x38;
	[tilespmem:$0x18F20] =	vst v63  }
0x111: {  	_ =	swait.ge [sflag:s7], $0x4000  }
0x112: {  	[sflag:s7] =	ssyncset.done $0x0  }
0x113: {  	[sflag:s7] =	ssyncadd.s32 $0xFFFFC000  }
0x114: {  	[tilespmem:s28], [sflag:$0x7] =	stream.indirect.gather [spmem:s2], $0x80, s30, s20, $0xb8;
	[tilespmem:$0x18F20] =	vst v63  }
0x115: {  	_ =	swait.ge [sflag:s29], $0x4000  }
0x116: {  	[sflag:s29] =	ssyncset.done $0x0  }
0x117: {  	s14 =	sadd.s32 $0xC800, s4;
	[sflag:s29] =	ssyncadd.s32 $0xFFFFC000  }
0x118: {  	[hbm4b:s14+s3] =	stream.linear.scatter [tilespmem:s22], [sflag:$0xB], $0x4000, $0x38;
	[tilespmem:$0x18F20] =	vst v63  }
0x119: {  	_ =	swait.ge [sflag:s16], $0x4000  }
0x11a: {  	[sflag:s16] =	ssyncset.done $0x0  }
0x11b: {  	s15 =	simm.s32 $0x200;
	[sflag:s16] =	ssyncadd.s32 $0xFFFFC000  }
0x11c: {  	[tilespmem:s31], [sflag:$0x8] =	stream.indirect.gather [spmem:s2], $0x80, s15, s20, $0xb8;
	[tilespmem:$0x18F20] =	vst v63  }
0x11d: {  	_ =	swait.ge [sflag:s0], $0x4000  }
0x11e: {  	[sflag:s0] =	ssyncset.done $0x0  }
0x11f: {  	s10 =	sadd.s32 $0xD000, s4;
	[sflag:s0] =	ssyncadd.s32 $0xFFFFC000  }
0x120: {  	[hbm4b:s10+s3] =	stream.linear.scatter [tilespmem:s24], [sflag:$0xC], $0x4000, $0x38;
	[tilespmem:$0x18F20] =	vst v63  }
0x121: {  	_ =	swait.ge [sflag:s23], $0x4000  }
0x122: {  	[sflag:s23] =	ssyncset.done $0x0  }
0x123: {  	s14 =	simm.s32 $0x280;
	[sflag:s23] =	ssyncadd.s32 $0xFFFFC000  }
0x124: {  	[tilespmem:s6], [sflag:$0x9] =	stream.indirect.gather [spmem:s2], $0x80, s14, s20, $0xb8;
	[tilespmem:$0x18F20] =	vst v63  }
0x125: {  	_ =	swait.ge [sflag:s8], $0x4000  }
0x126: {  	[sflag:s8] =	ssyncset.done $0x0  }
0x127: {  	s15 =	sadd.s32 $0xD800, s4;
	[sflag:s8] =	ssyncadd.s32 $0xFFFFC000  }
0x128: {  	[hbm4b:s15+s3] =	stream.linear.scatter [tilespmem:s28], [sflag:$0xD], $0x4000, $0x38;
	[tilespmem:$0x18F20] =	vst v63  }
0x129: {  	_ =	swait.ge [sflag:s9], $0x4000  }
0x12a: {  	[sflag:s9] =	ssyncset.done $0x0  }
0x12b: {  	s10 =	simm.s32 $0x300;
	[sflag:s9] =	ssyncadd.s32 $0xFFFFC000  }
0x12c: {  	[tilespmem:s21], [sflag:$0x4] =	stream.indirect.gather [spmem:s2], $0x80, s10, s20, $0xb8;
	[tilespmem:$0x18F20] =	vst v63  }
0x12d: {  	_ =	swait.ge [sflag:s11], $0x4000  }
0x12e: {  	[sflag:s11] =	ssyncset.done $0x0  }
0x12f: {  	s14 =	sadd.s32 $0xE000, s4;
	[sflag:s11] =	ssyncadd.s32 $0xFFFFC000  }
0x130: {  	[hbm4b:s14+s3] =	stream.linear.scatter [tilespmem:s31], [sflag:$0xE], $0x4000, $0x38;
	[tilespmem:$0x18F20] =	vst v63  }
0x131: {  	_ =	swait.ge [sflag:s12], $0x4000  }
0x132: {  	[sflag:s12] =	ssyncset.done $0x0  }
0x133: {  	s15 =	simm.s32 $0x380;
	[sflag:s12] =	ssyncadd.s32 $0xFFFFC000  }
0x134: {  	[tilespmem:s22], [sflag:$0x5] =	stream.indirect.gather [spmem:s2], $0x80, s15, s20, $0xb8;
	[tilespmem:$0x18F20] =	vst v63  }
0x135: {  	s1 =	sadd.s32 $0x180, s13;
	_ =	swait.ge [sflag:s5], $0x4000  }
0x136: {  	s30 =	simm.s32 $0xC000;
	s4 =	sadd.s32 $0xE800, s4;
	[sflag:s5] =	ssyncset.done $0x0  }
0x137: {  	s10 =	simm.s32 $0x3;
	s14 =	simm.s32 $0x1;
	[sflag:s5] =	ssyncadd.s32 $0xFFFFC000  }
.LBB2_2:
0x138: {  	[hbm4b:s4+s3] =	stream.linear.scatter [tilespmem:s6], [sflag:$0xF], $0x4000, $0x38;
	[tilespmem:$0x18F20] =	vst v63  }
0x139: {  	s13 =	simm.s32 $0x2  }
0x13a: {  	_ =	swait.ge [sflag:s13], $0x400  }
0x13b: {  	[sflag:s13] =	ssyncset.done $0x0  }
0x13c: {  	s15 =	simm.s32 $0x800;
	[sflag:s13] =	ssyncadd.s32 $0xFFFFFC00;
	s13 =	sadd.s32 $0xFFFFFF80, s1  }
0x13d: {  	[tilespmem:s15], [sflag:$0x3] =	stream.linear.gather [hbm4b:s13+s3], $0x400, $0x38;
	[tilespmem:$0x18F20] =	vst v63  }
0x13e: {  	_ =	swait.ge [sflag:s17], $0x4000  }
0x13f: {  	[sflag:s17] =	ssyncset.done $0x0  }
0x140: {  	[sflag:s17] =	ssyncadd.s32 $0xFFFFC000  }
0x141: {  	[tilespmem:s24], [sflag:$0x6] =	stream.indirect.gather [spmem:s2], $0x80, s18, s20, $0xb8;
	[tilespmem:$0x18F20] =	vst v63  }
0x142: {  	_ =	swait.ge [sflag:s25], $0x4000  }
0x143: {  	s4 =	smov.u32 s30;
	s18 =	rddreg [dreg:$0x7]  }
0x144: {  	[sflag:s25] =	ssyncset.done $0x0;
	s13 =	sadd.s32 s4, s18  }
0x145: {  	[sflag:s25] =	ssyncadd.s32 $0xFFFFC000;
	s18 =	smov.u32 s19;
	s19 =	sadd.s32 $0x3000, s13  }
0x146: {  	[hbm4b:s19+s3] =	stream.linear.scatter [tilespmem:s21], [sflag:$0xA], $0x4000, $0x38;
	[tilespmem:$0x18F20] =	vst v63  }
0x147: {  	_ =	swait.ge [sflag:s7], $0x4000  }
0x148: {  	[sflag:s7] =	ssyncset.done $0x0  }
0x149: {  	s19 =	rddreg [dreg:$0xa];
	[sflag:s7] =	ssyncadd.s32 $0xFFFFC000  }
0x14a: {  	[tilespmem:s28], [sflag:$0x7] =	stream.indirect.gather [spmem:s2], $0x80, s19, s20, $0xb8;
	[tilespmem:$0x18F20] =	vst v63  }
0x14b: {  	_ =	swait.ge [sflag:s29], $0x4000  }
0x14c: {  	[sflag:s29] =	ssyncset.done $0x0  }
0x14d: {  	s19 =	sadd.s32 $0x3800, s13;
	[sflag:s29] =	ssyncadd.s32 $0xFFFFC000  }
0x14e: {  	[hbm4b:s19+s3] =	stream.linear.scatter [tilespmem:s22], [sflag:$0xB], $0x4000, $0x38;
	[tilespmem:$0x18F20] =	vst v63  }
0x14f: {  	_ =	swait.ge [sflag:s16], $0x4000  }
0x150: {  	[sflag:s16] =	ssyncset.done $0x0  }
0x151: {  	s19 =	rddreg [dreg:$0xb];
	[sflag:s16] =	ssyncadd.s32 $0xFFFFC000  }
0x152: {  	[tilespmem:s31], [sflag:$0x8] =	stream.indirect.gather [spmem:s2], $0x80, s19, s20, $0xb8;
	[tilespmem:$0x18F20] =	vst v63  }
0x153: {  	_ =	swait.ge [sflag:s0], $0x4000  }
0x154: {  	s19 =	rddreg [dreg:$0x9];
	[sflag:s0] =	ssyncset.done $0x0  }
0x155: {  	[sflag:s0] =	ssyncadd.s32 $0xFFFFC000;
	s19 =	sadd.s32 s4, s19  }
0x156: {  	[hbm4b:s19+s3] =	stream.linear.scatter [tilespmem:s24], [sflag:$0xC], $0x4000, $0x38;
	[tilespmem:$0x18F20] =	vst v63  }
0x157: {  	_ =	swait.ge [sflag:s23], $0x4000  }
0x158: {  	[sflag:s23] =	ssyncset.done $0x0  }
0x159: {  	s19 =	rddreg [dreg:$0xc];
	[sflag:s23] =	ssyncadd.s32 $0xFFFFC000  }
0x15a: {  	[tilespmem:s6], [sflag:$0x9] =	stream.indirect.gather [spmem:s2], $0x80, s19, s20, $0xb8;
	[tilespmem:$0x18F20] =	vst v63  }
0x15b: {  	_ =	swait.ge [sflag:s8], $0x4000  }
0x15c: {  	[sflag:s8] =	ssyncset.done $0x0  }
0x15d: {  	s19 =	sadd.s32 $0x4800, s13;
	[sflag:s8] =	ssyncadd.s32 $0xFFFFC000  }
0x15e: {  	[hbm4b:s19+s3] =	stream.linear.scatter [tilespmem:s28], [sflag:$0xD], $0x4000, $0x38;
	[tilespmem:$0x18F20] =	vst v63  }
0x15f: {  	_ =	swait.ge [sflag:s9], $0x4000  }
0x160: {  	[sflag:s9] =	ssyncset.done $0x0  }
0x161: {  	s19 =	rddreg [dreg:$0xd];
	[sflag:s9] =	ssyncadd.s32 $0xFFFFC000  }
0x162: {  	[tilespmem:s21], [sflag:$0x4] =	stream.indirect.gather [spmem:s2], $0x80, s19, s20, $0xb8;
	[tilespmem:$0x18F20] =	vst v63  }
0x163: {  	_ =	swait.ge [sflag:s11], $0x4000  }
0x164: {  	[sflag:s11] =	ssyncset.done $0x0  }
0x165: {  	s19 =	sadd.s32 $0x5000, s13;
	[sflag:s11] =	ssyncadd.s32 $0xFFFFC000  }
0x166: {  	[hbm4b:s19+s3] =	stream.linear.scatter [tilespmem:s31], [sflag:$0xE], $0x4000, $0x38;
	[tilespmem:$0x18F20] =	vst v63  }
0x167: {  	_ =	swait.ge [sflag:s12], $0x4000  }
0x168: {  	[sflag:s12] =	ssyncset.done $0x0  }
0x169: {  	s19 =	rddreg [dreg:$0xe];
	[sflag:s12] =	ssyncadd.s32 $0xFFFFC000  }
0x16a: {  	[tilespmem:s22], [sflag:$0x5] =	stream.indirect.gather [spmem:s2], $0x80, s19, s20, $0xb8;
	[tilespmem:$0x18F20] =	vst v63  }
0x16b: {  	_ =	swait.ge [sflag:s5], $0x4000  }
0x16c: {  	[sflag:s5] =	ssyncset.done $0x0  }
0x16d: {  	s19 =	sadd.s32 $0x5800, s13;
	[sflag:s5] =	ssyncadd.s32 $0xFFFFC000  }
0x16e: {  	[hbm4b:s19+s3] =	stream.linear.scatter [tilespmem:s6], [sflag:$0xF], $0x4000, $0x38;
	[tilespmem:$0x18F20] =	vst v63  }
0x16f: {  	_ =	swait.ge [sflag:s17], $0x4000  }
0x170: {  	[sflag:s17] =	ssyncset.done $0x0  }
0x171: {  	s19 =	rddreg [dreg:$0xf];
	[sflag:s17] =	ssyncadd.s32 $0xFFFFC000  }
0x172: {  	[tilespmem:s24], [sflag:$0x6] =	stream.indirect.gather [spmem:s2], $0x80, s19, s20, $0xb8;
	[tilespmem:$0x18F20] =	vst v63  }
0x173: {  	_ =	swait.ge [sflag:s25], $0x4000  }
0x174: {  	[sflag:s25] =	ssyncset.done $0x0  }
0x175: {  	s19 =	sadd.s32 $0x6000, s13;
	[sflag:s25] =	ssyncadd.s32 $0xFFFFC000  }
0x176: {  	[hbm4b:s19+s3] =	stream.linear.scatter [tilespmem:s21], [sflag:$0xA], $0x4000, $0x38;
	[tilespmem:$0x18F20] =	vst v63  }
0x177: {  	_ =	swait.ge [sflag:s7], $0x4000  }
0x178: {  	[sflag:s7] =	ssyncset.done $0x0  }
0x179: {  	s19 =	rddreg [dreg:$0x10];
	[sflag:s7] =	ssyncadd.s32 $0xFFFFC000  }
0x17a: {  	[tilespmem:s28], [sflag:$0x7] =	stream.indirect.gather [spmem:s2], $0x80, s19, s20, $0xb8;
	[tilespmem:$0x18F20] =	vst v63  }
0x17b: {  	_ =	swait.ge [sflag:s29], $0x4000  }
0x17c: {  	[sflag:s29] =	ssyncset.done $0x0  }
0x17d: {  	s19 =	sadd.s32 $0x6800, s13;
	[sflag:s29] =	ssyncadd.s32 $0xFFFFC000  }
0x17e: {  	[hbm4b:s19+s3] =	stream.linear.scatter [tilespmem:s22], [sflag:$0xB], $0x4000, $0x38;
	[tilespmem:$0x18F20] =	vst v63  }
0x17f: {  	_ =	swait.ge [sflag:s26], $0x400  }
0x180: {  	[sflag:s26] =	ssyncset.done $0x0  }
0x181: {  	[sflag:s26] =	ssyncadd.s32 $0xFFFFFC00  }
0x182: {  	[tilespmem:s3], [sflag:$0x1] =	stream.linear.gather [hbm4b:s1+s3], $0x400, $0x38;
	[tilespmem:$0x18F20] =	vst v63  }
0x183: {  	_ =	swait.ge [sflag:s16], $0x4000  }
0x184: {  	[sflag:s16] =	ssyncset.done $0x0  }
0x185: {  	[sflag:s16] =	ssyncadd.s32 $0xFFFFC000  }
0x186: {  	[tilespmem:s31], [sflag:$0x8] =	stream.indirect.gather [spmem:s2], $0x80, s15, s20, $0xb8;
	[tilespmem:$0x18F20] =	vst v63  }
0x187: {  	_ =	swait.ge [sflag:s0], $0x4000  }
0x188: {  	[sflag:s0] =	ssyncset.done $0x0  }
0x189: {  	s15 =	sadd.s32 $0x7000, s13;
	[sflag:s0] =	ssyncadd.s32 $0xFFFFC000  }
0x18a: {  	[hbm4b:s15+s3] =	stream.linear.scatter [tilespmem:s24], [sflag:$0xC], $0x4000, $0x38;
	[tilespmem:$0x18F20] =	vst v63  }
0x18b: {  	_ =	swait.ge [sflag:s23], $0x4000  }
0x18c: {  	[sflag:s23] =	ssyncset.done $0x0  }
0x18d: {  	s15 =	rddreg [dreg:$0x11];
	[sflag:s23] =	ssyncadd.s32 $0xFFFFC000  }
0x18e: {  	[tilespmem:s6], [sflag:$0x9] =	stream.indirect.gather [spmem:s2], $0x80, s15, s20, $0xb8;
	[tilespmem:$0x18F20] =	vst v63  }
0x18f: {  	_ =	swait.ge [sflag:s8], $0x4000  }
0x190: {  	[sflag:s8] =	ssyncset.done $0x0  }
0x191: {  	s15 =	sadd.s32 $0x7800, s13;
	[sflag:s8] =	ssyncadd.s32 $0xFFFFC000  }
0x192: {  	[hbm4b:s15+s3] =	stream.linear.scatter [tilespmem:s28], [sflag:$0xD], $0x4000, $0x38;
	[tilespmem:$0x18F20] =	vst v63  }
0x193: {  	_ =	swait.ge [sflag:s9], $0x4000  }
0x194: {  	[sflag:s9] =	ssyncset.done $0x0  }
0x195: {  	s15 =	rddreg [dreg:$0x12];
	[sflag:s9] =	ssyncadd.s32 $0xFFFFC000  }
0x196: {  	[tilespmem:s21], [sflag:$0x4] =	stream.indirect.gather [spmem:s2], $0x80, s15, s20, $0xb8;
	[tilespmem:$0x18F20] =	vst v63  }
0x197: {  	_ =	swait.ge [sflag:s11], $0x4000  }
0x198: {  	s15 =	rddreg [dreg:$0x8];
	[sflag:s11] =	ssyncset.done $0x0  }
0x199: {  	[sflag:s11] =	ssyncadd.s32 $0xFFFFC000;
	s19 =	sadd.s32 s4, s15  }
0x19a: {  	[hbm4b:s19+s3] =	stream.linear.scatter [tilespmem:s31], [sflag:$0xE], $0x4000, $0x38;
	[tilespmem:$0x18F20] =	vst v63  }
0x19b: {  	_ =	swait.ge [sflag:s12], $0x4000  }
0x19c: {  	[sflag:s12] =	ssyncset.done $0x0  }
0x19d: {  	s15 =	rddreg [dreg:$0x13];
	[sflag:s12] =	ssyncadd.s32 $0xFFFFC000  }
0x19e: {  	[tilespmem:s22], [sflag:$0x5] =	stream.indirect.gather [spmem:s2], $0x80, s15, s20, $0xb8;
	[tilespmem:$0x18F20] =	vst v63  }
0x19f: {  	_ =	swait.ge [sflag:s5], $0x4000  }
0x1a0: {  	[sflag:s5] =	ssyncset.done $0x0  }
0x1a1: {  	s15 =	sadd.s32 $0x8800, s13;
	[sflag:s5] =	ssyncadd.s32 $0xFFFFC000  }
0x1a2: {  	[hbm4b:s15+s3] =	stream.linear.scatter [tilespmem:s6], [sflag:$0xF], $0x4000, $0x38;
	[tilespmem:$0x18F20] =	vst v63  }
0x1a3: {  	_ =	swait.ge [sflag:s17], $0x4000  }
0x1a4: {  	[sflag:s17] =	ssyncset.done $0x0  }
0x1a5: {  	s15 =	rddreg [dreg:$0x14];
	[sflag:s17] =	ssyncadd.s32 $0xFFFFC000  }
0x1a6: {  	[tilespmem:s24], [sflag:$0x6] =	stream.indirect.gather [spmem:s2], $0x80, s15, s20, $0xb8;
	[tilespmem:$0x18F20] =	vst v63  }
0x1a7: {  	_ =	swait.ge [sflag:s25], $0x4000  }
0x1a8: {  	[sflag:s25] =	ssyncset.done $0x0  }
0x1a9: {  	s15 =	sadd.s32 $0x9000, s13;
	[sflag:s25] =	ssyncadd.s32 $0xFFFFC000  }
0x1aa: {  	[hbm4b:s15+s3] =	stream.linear.scatter [tilespmem:s21], [sflag:$0xA], $0x4000, $0x38;
	[tilespmem:$0x18F20] =	vst v63  }
0x1ab: {  	_ =	swait.ge [sflag:s7], $0x4000  }
0x1ac: {  	[sflag:s7] =	ssyncset.done $0x0  }
0x1ad: {  	s15 =	rddreg [dreg:$0x15];
	[sflag:s7] =	ssyncadd.s32 $0xFFFFC000  }
0x1ae: {  	[tilespmem:s28], [sflag:$0x7] =	stream.indirect.gather [spmem:s2], $0x80, s15, s20, $0xb8;
	[tilespmem:$0x18F20] =	vst v63  }
0x1af: {  	_ =	swait.ge [sflag:s29], $0x4000  }
0x1b0: {  	[sflag:s29] =	ssyncset.done $0x0  }
0x1b1: {  	s15 =	sadd.s32 $0x9800, s13;
	[sflag:s29] =	ssyncadd.s32 $0xFFFFC000  }
0x1b2: {  	[hbm4b:s15+s3] =	stream.linear.scatter [tilespmem:s22], [sflag:$0xB], $0x4000, $0x38;
	[tilespmem:$0x18F20] =	vst v63  }
0x1b3: {  	_ =	swait.ge [sflag:s16], $0x4000  }
0x1b4: {  	[sflag:s16] =	ssyncset.done $0x0  }
0x1b5: {  	s15 =	rddreg [dreg:$0x16];
	[sflag:s16] =	ssyncadd.s32 $0xFFFFC000  }
0x1b6: {  	[tilespmem:s31], [sflag:$0x8] =	stream.indirect.gather [spmem:s2], $0x80, s15, s20, $0xb8;
	[tilespmem:$0x18F20] =	vst v63  }
0x1b7: {  	_ =	swait.ge [sflag:s0], $0x4000  }
0x1b8: {  	[sflag:s0] =	ssyncset.done $0x0  }
0x1b9: {  	s15 =	sadd.s32 $0xA000, s13;
	[sflag:s0] =	ssyncadd.s32 $0xFFFFC000  }
0x1ba: {  	[hbm4b:s15+s3] =	stream.linear.scatter [tilespmem:s24], [sflag:$0xC], $0x4000, $0x38;
	[tilespmem:$0x18F20] =	vst v63  }
0x1bb: {  	_ =	swait.ge [sflag:s23], $0x4000  }
0x1bc: {  	[sflag:s23] =	ssyncset.done $0x0  }
0x1bd: {  	s15 =	rddreg [dreg:$0x17];
	[sflag:s23] =	ssyncadd.s32 $0xFFFFC000  }
0x1be: {  	[tilespmem:s6], [sflag:$0x9] =	stream.indirect.gather [spmem:s2], $0x80, s15, s20, $0xb8;
	[tilespmem:$0x18F20] =	vst v63  }
0x1bf: {  	_ =	swait.ge [sflag:s8], $0x4000  }
0x1c0: {  	[sflag:s8] =	ssyncset.done $0x0  }
0x1c1: {  	s15 =	sadd.s32 $0xA800, s13;
	[sflag:s8] =	ssyncadd.s32 $0xFFFFC000  }
0x1c2: {  	[hbm4b:s15+s3] =	stream.linear.scatter [tilespmem:s28], [sflag:$0xD], $0x4000, $0x38;
	[tilespmem:$0x18F20] =	vst v63  }
0x1c3: {  	_ =	swait.ge [sflag:s14], $0x400  }
0x1c4: {  	s15 =	smin.u32 s10, $0x5F;
	s19 =	rddreg [dreg:$0x5]  }
0x1c5: {  	s15 =	sadd.s32 s15, s19  }
0x1c6: {  	[sflag:s14] =	ssyncset.done $0x0;
	s19 =	smov.u32 s18;
	s15 =	sshll.u32 s15, $0x7  }
0x1c7: {  	s18 =	simm.s32 $0x400;
	[sflag:s14] =	ssyncadd.s32 $0xFFFFFC00;
	s15 =	sadd.s32 s19, s15  }
0x1c8: {  	[tilespmem:s18], [sflag:$0x2] =	stream.linear.gather [hbm4b:s15+s3], $0x400, $0x38;
	[tilespmem:$0x18F20] =	vst v63  }
0x1c9: {  	_ =	swait.ge [sflag:s9], $0x4000  }
0x1ca: {  	[sflag:s9] =	ssyncset.done $0x0  }
0x1cb: {  	[sflag:s9] =	ssyncadd.s32 $0xFFFFC000  }
0x1cc: {  	[tilespmem:s21], [sflag:$0x4] =	stream.indirect.gather [spmem:s2], $0x80, s3, s20, $0xb8;
	[tilespmem:$0x18F20] =	vst v63  }
0x1cd: {  	_ =	swait.ge [sflag:s11], $0x4000  }
0x1ce: {  	[sflag:s11] =	ssyncset.done $0x0  }
0x1cf: {  	s15 =	sadd.s32 $0xB000, s13;
	[sflag:s11] =	ssyncadd.s32 $0xFFFFC000  }
0x1d0: {  	[hbm4b:s15+s3] =	stream.linear.scatter [tilespmem:s31], [sflag:$0xE], $0x4000, $0x38;
	[tilespmem:$0x18F20] =	vst v63  }
0x1d1: {  	_ =	swait.ge [sflag:s12], $0x4000  }
0x1d2: {  	[sflag:s12] =	ssyncset.done $0x0  }
0x1d3: {  	[sflag:s12] =	ssyncadd.s32 $0xFFFFC000  }
0x1d4: {  	[tilespmem:s22], [sflag:$0x5] =	stream.indirect.gather [spmem:s2], $0x80, s20, s20, $0xb8;
	[tilespmem:$0x18F20] =	vst v63  }
0x1d5: {  	_ =	swait.ge [sflag:s5], $0x4000  }
0x1d6: {  	[sflag:s5] =	ssyncset.done $0x0  }
0x1d7: {  	s15 =	sadd.s32 $0xB800, s13;
	[sflag:s5] =	ssyncadd.s32 $0xFFFFC000  }
0x1d8: {  	[hbm4b:s15+s3] =	stream.linear.scatter [tilespmem:s6], [sflag:$0xF], $0x4000, $0x38;
	[tilespmem:$0x18F20] =	vst v63  }
0x1d9: {  	_ =	swait.ge [sflag:s17], $0x4000  }
0x1da: {  	[sflag:s17] =	ssyncset.done $0x0  }
0x1db: {  	s15 =	simm.s32 $0x100;
	[sflag:s17] =	ssyncadd.s32 $0xFFFFC000  }
0x1dc: {  	[tilespmem:s24], [sflag:$0x6] =	stream.indirect.gather [spmem:s2], $0x80, s15, s20, $0xb8;
	[tilespmem:$0x18F20] =	vst v63  }
0x1dd: {  	_ =	swait.ge [sflag:s25], $0x4000  }
0x1de: {  	s15 =	rddreg [dreg:$0x6];
	[sflag:s25] =	ssyncset.done $0x0  }
0x1df: {  	[sflag:s25] =	ssyncadd.s32 $0xFFFFC000;
	s4 =	sadd.s32 s4, s15  }
0x1e0: {  	[hbm4b:s4+s3] =	stream.linear.scatter [tilespmem:s21], [sflag:$0xA], $0x4000, $0x38;
	[tilespmem:$0x18F20] =	vst v63  }
0x1e1: {  	_ =	swait.ge [sflag:s7], $0x4000  }
0x1e2: {  	[sflag:s7] =	ssyncset.done $0x0  }
0x1e3: {  	s15 =	simm.s32 $0x180;
	[sflag:s7] =	ssyncadd.s32 $0xFFFFC000  }
0x1e4: {  	[tilespmem:s28], [sflag:$0x7] =	stream.indirect.gather [spmem:s2], $0x80, s15, s20, $0xb8;
	[tilespmem:$0x18F20] =	vst v63  }
0x1e5: {  	_ =	swait.ge [sflag:s29], $0x4000  }
0x1e6: {  	[sflag:s29] =	ssyncset.done $0x0  }
0x1e7: {  	s15 =	sadd.s32 $0xC800, s13;
	[sflag:s29] =	ssyncadd.s32 $0xFFFFC000  }
0x1e8: {  	[hbm4b:s15+s3] =	stream.linear.scatter [tilespmem:s22], [sflag:$0xB], $0x4000, $0x38;
	[tilespmem:$0x18F20] =	vst v63  }
0x1e9: {  	_ =	swait.ge [sflag:s16], $0x4000  }
0x1ea: {  	[sflag:s16] =	ssyncset.done $0x0  }
0x1eb: {  	s15 =	simm.s32 $0x200;
	[sflag:s16] =	ssyncadd.s32 $0xFFFFC000  }
0x1ec: {  	[tilespmem:s31], [sflag:$0x8] =	stream.indirect.gather [spmem:s2], $0x80, s15, s20, $0xb8;
	[tilespmem:$0x18F20] =	vst v63  }
0x1ed: {  	_ =	swait.ge [sflag:s0], $0x4000  }
0x1ee: {  	[sflag:s0] =	ssyncset.done $0x0  }
0x1ef: {  	s15 =	sadd.s32 $0xD000, s13;
	[sflag:s0] =	ssyncadd.s32 $0xFFFFC000  }
0x1f0: {  	[hbm4b:s15+s3] =	stream.linear.scatter [tilespmem:s24], [sflag:$0xC], $0x4000, $0x38;
	[tilespmem:$0x18F20] =	vst v63  }
0x1f1: {  	_ =	swait.ge [sflag:s23], $0x4000  }
0x1f2: {  	[sflag:s23] =	ssyncset.done $0x0  }
0x1f3: {  	s15 =	simm.s32 $0x280;
	[sflag:s23] =	ssyncadd.s32 $0xFFFFC000  }
0x1f4: {  	[tilespmem:s6], [sflag:$0x9] =	stream.indirect.gather [spmem:s2], $0x80, s15, s20, $0xb8;
	[tilespmem:$0x18F20] =	vst v63  }
0x1f5: {  	_ =	swait.ge [sflag:s8], $0x4000  }
0x1f6: {  	[sflag:s8] =	ssyncset.done $0x0  }
0x1f7: {  	s15 =	sadd.s32 $0xD800, s13;
	[sflag:s8] =	ssyncadd.s32 $0xFFFFC000  }
0x1f8: {  	[hbm4b:s15+s3] =	stream.linear.scatter [tilespmem:s28], [sflag:$0xD], $0x4000, $0x38;
	[tilespmem:$0x18F20] =	vst v63  }
0x1f9: {  	_ =	swait.ge [sflag:s9], $0x4000  }
0x1fa: {  	[sflag:s9] =	ssyncset.done $0x0  }
0x1fb: {  	s15 =	simm.s32 $0x300;
	[sflag:s9] =	ssyncadd.s32 $0xFFFFC000  }
0x1fc: {  	[tilespmem:s21], [sflag:$0x4] =	stream.indirect.gather [spmem:s2], $0x80, s15, s20, $0xb8;
	[tilespmem:$0x18F20] =	vst v63  }
0x1fd: {  	_ =	swait.ge [sflag:s11], $0x4000  }
0x1fe: {  	[sflag:s11] =	ssyncset.done $0x0  }
0x1ff: {  	s15 =	sadd.s32 $0xE000, s13;
	[sflag:s11] =	ssyncadd.s32 $0xFFFFC000  }
0x200: {  	[hbm4b:s15+s3] =	stream.linear.scatter [tilespmem:s31], [sflag:$0xE], $0x4000, $0x38;
	[tilespmem:$0x18F20] =	vst v63  }
0x201: {  	_ =	swait.ge [sflag:s12], $0x4000  }
0x202: {  	p1 =	sne.s32 s30, $0x180000;
	[sflag:s12] =	ssyncset.done $0x0  }
.Ltmp0:
0x203: {  	s15 =	simm.s32 $0x380;
	[sflag:s12] =	ssyncadd.s32 $0xFFFFC000;
	(pc) =	sbr.rel @p1 .LBB2_2-.Ltmp0, $4  }
0x204: {  	[tilespmem:s22], [sflag:$0x5] =	stream.indirect.gather [spmem:s2], $0x80, s15, s20, $0xb8;
	[tilespmem:$0x18F20] =	vst v63  }
0x205: {  	_ =	swait.ge [sflag:s5], $0x4000  }
0x206: {  	s30 =	sadd.s32 $0xC000, s30;
	s1 =	sadd.s32 $0x180, s1;
	[sflag:s5] =	ssyncset.done $0x0  }
0x207: {  	s10 =	sadd.s32 $0x3, s10;
	s4 =	sadd.s32 $0xE800, s13;
	[sflag:s5] =	ssyncadd.s32 $0xFFFFC000  }
0x208: {  	[hbm4b:s4+s3] =	stream.linear.scatter [tilespmem:s6], [sflag:$0xF], $0x4000, $0x38;
	[tilespmem:$0x18F20] =	vst v63  }
0x209: {  	_ =	swait.ge [sflag:s25], $0x4000  }
0x20a: {  	s1 =	sld [smem:$0x7F9]  }
0x20b: {  	[sflag:s25] =	ssyncset.done $0x0  }
0x20c: {  	[sflag:s25] =	ssyncadd.s32 $0xFFFFC000  }
0x20d: {  	[hbm4b:s1+s3] =	stream.linear.scatter [tilespmem:s21], [sflag:$0xA], $0x4000, $0x38;
	[tilespmem:$0x18F20] =	vst v63  }
0x20e: {  	_ =	swait.ge [sflag:s29], $0x4000  }
0x20f: {  	s10 =	sld [smem:$0x7FA]  }
0x210: {  	[sflag:s29] =	ssyncset.done $0x0  }
0x211: {  	s13 =	simm.s32 $0x2;
	[sflag:s29] =	ssyncadd.s32 $0xFFFFC000  }
0x212: {  	[hbm4b:s10+s3] =	stream.linear.scatter [tilespmem:s22], [sflag:$0xB], $0x4000, $0x38;
	[tilespmem:$0x18F20] =	vst v63  }
0x213: {  	_ =	swait.ge [sflag:s13], $0x400  }
0x214: {  	[sflag:s13] =	ssyncset.done $0x0  }
0x215: {  	[sflag:s13] =	ssyncadd.s32 $0xFFFFFC00  }
0x216: {  	_ =	swait.ge [sflag:s9], $0x4000  }
0x217: {  	[sflag:s9] =	ssyncset.done $0x0  }
0x218: {  	[sflag:s9] =	ssyncadd.s32 $0xFFFFC000  }
0x219: {  	_ =	swait.ge [sflag:s12], $0x4000  }
0x21a: {  	[sflag:s12] =	ssyncset.done $0x0  }
0x21b: {  	[sflag:s12] =	ssyncadd.s32 $0xFFFFC000  }
0x21c: {  	_ =	swait.ge [sflag:s17], $0x4000  }
0x21d: {  	[sflag:s17] =	ssyncset.done $0x0  }
0x21e: {  	[sflag:s17] =	ssyncadd.s32 $0xFFFFC000  }
0x21f: {  	_ =	swait.ge [sflag:s7], $0x4000  }
0x220: {  	[sflag:s7] =	ssyncset.done $0x0  }
0x221: {  	[sflag:s7] =	ssyncadd.s32 $0xFFFFC000  }
0x222: {  	_ =	swait.ge [sflag:s16], $0x4000  }
0x223: {  	[sflag:s16] =	ssyncset.done $0x0  }
0x224: {  	[sflag:s16] =	ssyncadd.s32 $0xFFFFC000  }
0x225: {  	_ =	swait.ge [sflag:s23], $0x4000  }
0x226: {  	s14 =	sld [smem:$0x7F8]  }
0x227: {  	s15 =	sld [smem:$0x7FB];
	_ =	sdelay $0x1  }
0x228: {  	s4 =	sadd.s32 $0x1, s14  }
0x229: {  	p1 =	sne.s32 s4, s15  }
.Ltmp1:
0x22a: {  	_ = 	snop;
	(pc) =	sbr.rel @p1 .LBB2_1-.Ltmp1, $3  }
0x22b: {  	_ =	sdelay $0x1  }
0x22c: {  	s30 =	simm.s32 $0x180;
	s13 =	simm.s32 $0x200;
	[sflag:s23] =	ssyncset.done $0x0  }
0x22d: {  	[sflag:s23] =	ssyncadd.s32 $0xFFFFC000;
	s14 =	simm.s32 $0x1;
	s15 =	simm.s32 $0x100  }
0x22e: {  	_ =	sfence.sel $0x180000  }
0x22f: {  	[bflag:$0x0] =	sbarrier.arrive $0xFFFF  }
0x230: {  	_ =	strace $0x90000047  }
0x231: {  	[bflag:$0x2] =	sbarrier.arrive $0xFFFF  }
0x232: {  	s0 =	rddreg [dreg:$0x4]  }
0x233: {  	s0 =	sadd.s32 @!p0 $0x100000, s0  }
0x234: {  	[sflag:s0] =	ssyncadd.tile.s32 @!p0 $0x1;
	_ =	shalt  }
.Lfunc_end2:
_tile_overlayer_lowered:
.L_overlay_start_2:
0x235: {  	(tag) =	ssettag $0x2  }
0x236: {  	s0 =	rddreg [dreg:$0x0];
	s2 =	stileid.u32  }
0x237: {  	s1 =	rddreg [dreg:$0x1];
	p0 =	sne.s32 s2, $0x0  }
0x238: {  	s3 =	rddreg [dreg:$0x2];
	[bflag:$0x3] =	sbarrier.arrive $0xFFFF;
	s2 =	simm.s32 @!p0 $0x1C10  }
0x239: {  	[timem:s3], [sflag:s2] =	dma.local @!p0 [hbm:s0], s1  }
0x23a: {  	s0 =	simm.s32 @!p0 $0x10  }
0x23b: {  	_ =	swait.ge @!p0 [sflag:s0], s1  }
0x23c: {  	s1 =	ssub.s32 @!p0 $0x0, s1;
	[sflag:s0] =	ssyncset.done @!p0 $0x0  }
0x23d: {  	[sflag:s0] =	ssyncadd.s32 @!p0 s1  }
0x23e: {  	[bflag:$0x3] =	sbarrier.arrive $0xFFFF  }
0x23f: {  	_ =	shalt  }

</sc_bundles>
